<compile_context>
chip_gen: v7x
topology: tpu7x:2x2x1
jax: 0.10.2.dev20260603
libtpu: 0.0.44.dev20260713+nightly
codegen_flags: <defaults>
</compile_context>

<pallas_src>
import functools

import jax
import jax.numpy as jnp
from jax import lax
from jax.experimental import pallas as pl
from jax.experimental.pallas import tpu as pltpu
from jax.experimental.pallas import tpu_sc as plsc

VOCAB_SIZE = 64
HIDDEN_DIM = 64

_LANE = 128
_K = 4
_TOKENS = 16384 * 200
_ROWS = _TOKENS // _LANE
_NW = 32
_ROWS_PER_W = _ROWS // _NW
_OUTER = _ROWS_PER_W // _K


def _emb_body(x_hbm, table_hbm, out_hbm, idx_v, rows_v, table_s,
              sem_idx, sem_g, sem_out):
    wid = lax.axis_index("s") * 2 + lax.axis_index("c")
    w_base = wid * _ROWS_PER_W

    @pl.when(lax.axis_index("s") == 0)
    def _():
        pltpu.sync_copy(table_hbm, table_s)
    plsc.subcore_barrier()

    def idx_copy(slot, base):
        return pltpu.make_async_copy(
            x_hbm.at[pl.ds(base, _K)], idx_v.at[slot], sem_idx)

    def out_copy(slot, base):
        return pltpu.make_async_copy(
            rows_v.at[slot], out_hbm.at[pl.ds(base, _K)], sem_out)

    idx_copy(0, w_base).start()
    idx_copy(1, w_base + _K).start()

    def body(i, carry):
        for u in range(4):
            it = i * 4 + u
            rb = u % 2
            sb = u
            base = w_base + it * _K
            idx_copy(sb, base).wait()

            @pl.when(it >= 2)
            def _():
                out_copy(rb, base - 2 * _K).wait()

            gathers = [
                pltpu.async_copy(
                    table_s.at[idx_v.at[sb, j]], rows_v.at[rb, j], sem_g)
                for j in range(_K)
            ]

            @pl.when(it + 2 < _OUTER)
            def _():
                idx_copy((u + 2) % 4, base + 2 * _K).start()

            for g in gathers:
                g.wait()
            out_copy(rb, base).start()
        return carry

    lax.fori_loop(0, _OUTER // 4, body, 0)
    out_copy(0, w_base + (_OUTER - 2) * _K).wait()
    out_copy(1, w_base + (_OUTER - 1) * _K).wait()


def kernel(x, table):
    x2 = x.reshape(_ROWS, _LANE).astype(jnp.int32)
    mesh = plsc.VectorSubcoreMesh(core_axis_name="c", subcore_axis_name="s")
    run = functools.partial(
        pl.kernel,
        mesh=mesh,
        out_type=jax.ShapeDtypeStruct((_ROWS, _LANE, HIDDEN_DIM), jnp.float32),
        scratch_types=[
            pltpu.VMEM((4, _K, _LANE), jnp.int32),
            pltpu.VMEM((2, _K, _LANE, HIDDEN_DIM), jnp.float32),
            pltpu.VMEM_SHARED((VOCAB_SIZE, HIDDEN_DIM), jnp.float32),
            pltpu.SemaphoreType.DMA,
            pltpu.SemaphoreType.DMA,
            pltpu.SemaphoreType.DMA,
        ],
        compiler_params=pltpu.CompilerParams(use_tc_tiling_on_sc=False),
    )(_emb_body)
    out = run(x2, table)
    return out.reshape(16384, 200, HIDDEN_DIM)

# --- scband reference (transcript-rebuilt; emitter-appended) ---
"""Pipeline reference for scband-token-embedder-77068893160197 (READ-ONLY COPY).

The authoritative reference and input builder live on the scoring server;
editing this copy changes nothing except your own understanding.
"""

import jax, jax.numpy as jnp
import numpy as np

VOCAB_SIZE = 64
HIDDEN_DIM = 64

def setup_inputs(seed: int = 0) -> dict:
    key = jax.random.key(seed)
    k1, k2 = jax.random.split(key)
    x = jax.random.randint(k1, (16384, 200), 0, VOCAB_SIZE, dtype=jnp.int64 if jax.config.jax_enable_x64 else jnp.int32)
    table = jax.random.normal(k2, (VOCAB_SIZE, HIDDEN_DIM), dtype=jnp.float32)
    return {"x": x, "table": table}

def reference(x, table):
    # nn.Embedding forward: gather rows of the embedding table
    return jnp.take(table, x, axis=0)

if __name__ == "__main__":
    import jax
    _d = setup_inputs()
    print(jax.jit(kernel)(*tuple(_d.values())))

</pallas_src>

<mosaic_0001>
#map = affine_map<(d0, d1) -> (0, 0)>
#map1 = affine_map<(d0, d1) -> (0, 0, 0)>
module attributes {stable_mosaic.version = 14 : i64} {
  func.func @_emb_body(%arg0: i32, %arg1: i32, %arg2: memref<25600x128xi32, #tpu.memory_space<hbm>>, %arg3: memref<64x64xf32, #tpu.memory_space<hbm>>, %arg4: memref<25600x128x64xf32, #tpu.memory_space<hbm>>, %arg5: memref<4x4x128xi32, #tpu.memory_space<vmem>>, %arg6: memref<2x4x128x64xf32, #tpu.memory_space<vmem>>, %arg7: memref<64x64xf32, #tpu.memory_space<vmem_shared>>, %arg8: memref<!tpu.dma_semaphore, #tpu.memory_space<semaphore_mem>>, %arg9: memref<!tpu.dma_semaphore, #tpu.memory_space<semaphore_mem>>, %arg10: memref<!tpu.dma_semaphore, #tpu.memory_space<semaphore_mem>>) attributes {dimension_semantics = [#tpu.dimension_semantics<core_parallel>, #tpu.dimension_semantics<subcore_parallel>], iteration_bounds = array<i64: 2, 16>, scalar_prefetch = 0 : i64, scratch_operands = 6 : i64, tpu.core_type = #tpu.core_type<sc_vector_subcore>, window_params = [{transform_indices = #map}, {transform_indices = #map}, {transform_indices = #map1}]} {
    %mul3A = arith.constant 2 : i32
    %mul3A_0 = arith.muli %arg1, %mul3A : i32
    %add3A = arith.addi %mul3A_0, %arg0 : i32
    %mul3A_1 = arith.constant 800 : i32
    %mul3A_2 = arith.muli %add3A, %mul3A_1 : i32
    %eq3A = arith.constant 0 : i32
    %eq3A_3 = arith.cmpi eq, %arg1, %eq3A : i32
    %convert_element_type3A = arith.extui %eq3A_3 : i1 to i32
    %cond3A = arith.constant 0 : i32
    %cond3A_4 = arith.cmpi ne, %convert_element_type3A, %cond3A : i32
    scf.if %cond3A_4 {
      "tpu.region"() ({
        %run_scoped3A = tpu.sem_alloc : memref<!tpu.dma_semaphore, #tpu.memory_space<semaphore_mem>>
        tpu.enqueue_dma source(%arg3 : memref<64x64xf32, #tpu.memory_space<hbm>>) target(%arg7 : memref<64x64xf32, #tpu.memory_space<vmem_shared>>) target_semaphore(%run_scoped3A : memref<!tpu.dma_semaphore, #tpu.memory_space<semaphore_mem>>)
        tpu.wait_dma2 semaphore(%run_scoped3A : memref<!tpu.dma_semaphore, #tpu.memory_space<semaphore_mem>>) src(%arg3 : memref<64x64xf32, #tpu.memory_space<hbm>>) dst(%arg7 : memref<64x64xf32, #tpu.memory_space<vmem_shared>>)
        tpu.yield
      }) : () -> ()
    } else {
    }
    %barrier3A = arith.constant 0 : index
    tpu.barrier barrier_id(%barrier3A)
    %dma_start3A = arith.constant 0 : i32
    %dma_start3A_5 = arith.constant 0 : i32
    %dma_start3A_6 = arith.constant 0 : i32
    %dma_start3A_7 = tpu.memref_slice %arg5[%dma_start3A, %dma_start3A_5, %dma_start3A_6] : memref<4x4x128xi32, #tpu.memory_space<vmem>> -> memref<1x4x128xi32, #tpu.memory_space<vmem>>
    %dma_start3A_8 = tpu.memref_squeeze %dma_start3A_7 : memref<1x4x128xi32, #tpu.memory_space<vmem>> -> memref<4x128xi32, #tpu.memory_space<vmem>>
    %dma_start3A_9 = arith.constant 0 : i32
    %dma_start3A_10 = tpu.memref_slice %arg2[%mul3A_2, %dma_start3A_9] : memref<25600x128xi32, #tpu.memory_space<hbm>> -> memref<4x128xi32, #tpu.memory_space<hbm>>
    %dma_start3A_11 = arith.constant 0 : i32
    %dma_start3A_12 = arith.constant 0 : i32
    %dma_start3A_13 = tpu.memref_slice %arg5[%dma_start3A, %dma_start3A_11, %dma_start3A_12] : memref<4x4x128xi32, #tpu.memory_space<vmem>> -> memref<1x4x128xi32, #tpu.memory_space<vmem>>
    %dma_start3A_14 = tpu.memref_squeeze %dma_start3A_13 : memref<1x4x128xi32, #tpu.memory_space<vmem>> -> memref<4x128xi32, #tpu.memory_space<vmem>>
    %dma_start3A_15 = arith.constant 0 : i32
    %dma_start3A_16 = tpu.memref_slice %arg2[%mul3A_2, %dma_start3A_15] : memref<25600x128xi32, #tpu.memory_space<hbm>> -> memref<4x128xi32, #tpu.memory_space<hbm>>
    tpu.enqueue_dma source(%dma_start3A_16 : memref<4x128xi32, #tpu.memory_space<hbm>>) target(%dma_start3A_14 : memref<4x128xi32, #tpu.memory_space<vmem>>) target_semaphore(%arg8 : memref<!tpu.dma_semaphore, #tpu.memory_space<semaphore_mem>>)
    %add3A_17 = arith.constant 4 : i32
    %add3A_18 = arith.addi %mul3A_2, %add3A_17 : i32
    %dma_start3A_19 = arith.constant 1 : i32
    %dma_start3A_20 = arith.constant 0 : i32
    %dma_start3A_21 = arith.constant 0 : i32
    %dma_start3A_22 = tpu.memref_slice %arg5[%dma_start3A_19, %dma_start3A_20, %dma_start3A_21] : memref<4x4x128xi32, #tpu.memory_space<vmem>> -> memref<1x4x128xi32, #tpu.memory_space<vmem>>
    %dma_start3A_23 = tpu.memref_squeeze %dma_start3A_22 : memref<1x4x128xi32, #tpu.memory_space<vmem>> -> memref<4x128xi32, #tpu.memory_space<vmem>>
    %dma_start3A_24 = arith.constant 0 : i32
    %dma_start3A_25 = tpu.memref_slice %arg2[%add3A_18, %dma_start3A_24] : memref<25600x128xi32, #tpu.memory_space<hbm>> -> memref<4x128xi32, #tpu.memory_space<hbm>>
    %dma_start3A_26 = arith.constant 0 : i32
    %dma_start3A_27 = arith.constant 0 : i32
    %dma_start3A_28 = tpu.memref_slice %arg5[%dma_start3A_19, %dma_start3A_26, %dma_start3A_27] : memref<4x4x128xi32, #tpu.memory_space<vmem>> -> memref<1x4x128xi32, #tpu.memory_space<vmem>>
    %dma_start3A_29 = tpu.memref_squeeze %dma_start3A_28 : memref<1x4x128xi32, #tpu.memory_space<vmem>> -> memref<4x128xi32, #tpu.memory_space<vmem>>
    %dma_start3A_30 = arith.constant 0 : i32
    %dma_start3A_31 = tpu.memref_slice %arg2[%add3A_18, %dma_start3A_30] : memref<25600x128xi32, #tpu.memory_space<hbm>> -> memref<4x128xi32, #tpu.memory_space<hbm>>
    tpu.enqueue_dma source(%dma_start3A_31 : memref<4x128xi32, #tpu.memory_space<hbm>>) target(%dma_start3A_29 : memref<4x128xi32, #tpu.memory_space<vmem>>) target_semaphore(%arg8 : memref<!tpu.dma_semaphore, #tpu.memory_space<semaphore_mem>>)
    %scan3A = arith.constant 0 : i32
    %scan3A_32 = arith.constant 0 : i32
    %scan3A_33 = arith.constant 50 : i32
    %scan3A_34 = arith.addi %scan3A_32, %scan3A_33 : i32
    %scan3A_35 = arith.constant 1 : i32
    scf.for %scan3A_74 = %scan3A_32 to %scan3A_34 step %scan3A_35  : i32 {
      %mul3A_75 = arith.constant 4 : i32
      %mul3A_76 = arith.muli %scan3A_74, %mul3A_75 : i32
      %add3A_77 = arith.constant 0 : i32
      %add3A_78 = arith.addi %mul3A_76, %add3A_77 : i32
      %mul3A_79 = arith.constant 4 : i32
      %mul3A_80 = arith.muli %add3A_78, %mul3A_79 : i32
      %add3A_81 = arith.addi %mul3A_2, %mul3A_80 : i32
      %dma_wait3A_82 = arith.constant 0 : i32
      %dma_wait3A_83 = arith.constant 0 : i32
      %dma_wait3A_84 = arith.constant 0 : i32
      %dma_wait3A_85 = tpu.memref_slice %arg5[%dma_wait3A_82, %dma_wait3A_83, %dma_wait3A_84] : memref<4x4x128xi32, #tpu.memory_space<vmem>> -> memref<1x4x128xi32, #tpu.memory_space<vmem>>
      %dma_wait3A_86 = tpu.memref_squeeze %dma_wait3A_85 : memref<1x4x128xi32, #tpu.memory_space<vmem>> -> memref<4x128xi32, #tpu.memory_space<vmem>>
      %dma_wait3A_87 = arith.constant 0 : i32
      %dma_wait3A_88 = tpu.memref_slice %arg2[%add3A_81, %dma_wait3A_87] : memref<25600x128xi32, #tpu.memory_space<hbm>> -> memref<4x128xi32, #tpu.memory_space<hbm>>
      %dma_wait3A_89 = arith.constant 0 : i32
      %dma_wait3A_90 = arith.constant 0 : i32
      %dma_wait3A_91 = tpu.memref_slice %arg5[%dma_wait3A_82, %dma_wait3A_89, %dma_wait3A_90] : memref<4x4x128xi32, #tpu.memory_space<vmem>> -> memref<1x4x128xi32, #tpu.memory_space<vmem>>
      %dma_wait3A_92 = tpu.memref_squeeze %dma_wait3A_91 : memref<1x4x128xi32, #tpu.memory_space<vmem>> -> memref<4x128xi32, #tpu.memory_space<vmem>>
      %dma_wait3A_93 = arith.constant 0 : i32
      %dma_wait3A_94 = tpu.memref_slice %arg2[%add3A_81, %dma_wait3A_93] : memref<25600x128xi32, #tpu.memory_space<hbm>> -> memref<4x128xi32, #tpu.memory_space<hbm>>
      tpu.wait_dma2 semaphore(%arg8 : memref<!tpu.dma_semaphore, #tpu.memory_space<semaphore_mem>>) src(%dma_wait3A_94 : memref<4x128xi32, #tpu.memory_space<hbm>>) dst(%dma_wait3A_92 : memref<4x128xi32, #tpu.memory_space<vmem>>)
      %ge3A = arith.constant 2 : i32
      %ge3A_95 = arith.cmpi sge, %add3A_78, %ge3A : i32
      %convert_element_type3A_96 = arith.extui %ge3A_95 : i1 to i32
      %cond3A_97 = arith.constant 0 : i32
      %cond3A_98 = arith.cmpi ne, %convert_element_type3A_96, %cond3A_97 : i32
      scf.if %cond3A_98 {
        %sub3A = arith.constant 8 : i32
        %sub3A_717 = arith.subi %add3A_81, %sub3A : i32
        %dma_wait3A_718 = arith.constant 0 : i32
        %dma_wait3A_719 = arith.constant 0 : i32
        %dma_wait3A_720 = arith.constant 0 : i32
        %dma_wait3A_721 = arith.constant 0 : i32
        %dma_wait3A_722 = tpu.memref_slice %arg6[%dma_wait3A_718, %dma_wait3A_719, %dma_wait3A_720, %dma_wait3A_721] : memref<2x4x128x64xf32, #tpu.memory_space<vmem>> -> memref<1x4x128x64xf32, #tpu.memory_space<vmem>>
        %dma_wait3A_723 = tpu.memref_squeeze %dma_wait3A_722 : memref<1x4x128x64xf32, #tpu.memory_space<vmem>> -> memref<4x128x64xf32, #tpu.memory_space<vmem>>
        %dma_wait3A_724 = arith.constant 0 : i32
        %dma_wait3A_725 = arith.constant 0 : i32
        %dma_wait3A_726 = tpu.memref_slice %arg4[%sub3A_717, %dma_wait3A_724, %dma_wait3A_725] : memref<25600x128x64xf32, #tpu.memory_space<hbm>> -> memref<4x128x64xf32, #tpu.memory_space<hbm>>
        %dma_wait3A_727 = arith.constant 0 : i32
        %dma_wait3A_728 = arith.constant 0 : i32
        %dma_wait3A_729 = tpu.memref_slice %arg4[%sub3A_717, %dma_wait3A_727, %dma_wait3A_728] : memref<25600x128x64xf32, #tpu.memory_space<hbm>> -> memref<4x128x64xf32, #tpu.memory_space<hbm>>
        %dma_wait3A_730 = arith.constant 0 : i32
        %dma_wait3A_731 = arith.constant 0 : i32
        %dma_wait3A_732 = arith.constant 0 : i32
        %dma_wait3A_733 = tpu.memref_slice %arg6[%dma_wait3A_718, %dma_wait3A_730, %dma_wait3A_731, %dma_wait3A_732] : memref<2x4x128x64xf32, #tpu.memory_space<vmem>> -> memref<1x4x128x64xf32, #tpu.memory_space<vmem>>
        %dma_wait3A_734 = tpu.memref_squeeze %dma_wait3A_733 : memref<1x4x128x64xf32, #tpu.memory_space<vmem>> -> memref<4x128x64xf32, #tpu.memory_space<vmem>>
        tpu.wait_dma2 semaphore(%arg10 : memref<!tpu.dma_semaphore, #tpu.memory_space<semaphore_mem>>) src(%dma_wait3A_734 : memref<4x128x64xf32, #tpu.memory_space<vmem>>) dst(%dma_wait3A_729 : memref<4x128x64xf32, #tpu.memory_space<hbm>>)
      } else {
      }
      %dma_start3A_99 = arith.constant 0 : i32
      %dma_start3A_100 = arith.constant 0 : i32
      %dma_start3A_101 = arith.constant 0 : i32
      %dma_start3A_102 = arith.constant 0 : i32
      %dma_start3A_103 = arith.constant 0 : i32
      %dma_start3A_104 = arith.constant 0 : i32
      %dma_start3A_105 = tpu.memref_slice %arg6[%dma_start3A_101, %dma_start3A_102, %dma_start3A_103, %dma_start3A_104] : memref<2x4x128x64xf32, #tpu.memory_space<vmem>> -> memref<1x1x128x64xf32, #tpu.memory_space<vmem>>
      %dma_start3A_106 = tpu.memref_squeeze %dma_start3A_105 : memref<1x1x128x64xf32, #tpu.memory_space<vmem>> -> memref<128x64xf32, #tpu.memory_space<vmem>>
      %dma_start3A_107 = arith.constant 0 : i32
      %dma_start3A_108 = tpu.memref_slice %arg5[%dma_start3A_99, %dma_start3A_100, %dma_start3A_107] : memref<4x4x128xi32, #tpu.memory_space<vmem>> -> memref<1x1x128xi32, #tpu.memory_space<vmem>>
      %dma_start3A_109 = tpu.memref_squeeze %dma_start3A_108 : memref<1x1x128xi32, #tpu.memory_space<vmem>> -> memref<128xi32, #tpu.memory_space<vmem>>
      %dma_start3A_110 = arith.constant 0 : i32
      %dma_start3A_111 = arith.constant 0 : i32
      %dma_start3A_112 = tpu.memref_slice %arg7[%dma_start3A_110, %dma_start3A_111] : memref<64x64xf32, #tpu.memory_space<vmem_shared>> -> memref<64x64xf32, #tpu.memory_space<vmem_shared>>
      tpu.enqueue_indirect_dma source(%dma_start3A_112 : memref<64x64xf32, #tpu.memory_space<vmem_shared>>) target(%dma_start3A_106 : memref<128x64xf32, #tpu.memory_space<vmem>>) offsets(%dma_start3A_109 : memref<128xi32, #tpu.memory_space<vmem>>) semaphore(%arg9 : memref<!tpu.dma_semaphore, #tpu.memory_space<semaphore_mem>>)
      %dma_start3A_113 = arith.constant 0 : i32
      %dma_start3A_114 = arith.constant 1 : i32
      %dma_start3A_115 = arith.constant 0 : i32
      %dma_start3A_116 = arith.constant 1 : i32
      %dma_start3A_117 = arith.constant 0 : i32
      %dma_start3A_118 = arith.constant 0 : i32
      %dma_start3A_119 = tpu.memref_slice %arg6[%dma_start3A_115, %dma_start3A_116, %dma_start3A_117, %dma_start3A_118] : memref<2x4x128x64xf32, #tpu.memory_space<vmem>> -> memref<1x1x128x64xf32, #tpu.memory_space<vmem>>
      %dma_start3A_120 = tpu.memref_squeeze %dma_start3A_119 : memref<1x1x128x64xf32, #tpu.memory_space<vmem>> -> memref<128x64xf32, #tpu.memory_space<vmem>>
      %dma_start3A_121 = arith.constant 0 : i32
      %dma_start3A_122 = tpu.memref_slice %arg5[%dma_start3A_113, %dma_start3A_114, %dma_start3A_121] : memref<4x4x128xi32, #tpu.memory_space<vmem>> -> memref<1x1x128xi32, #tpu.memory_space<vmem>>
      %dma_start3A_123 = tpu.memref_squeeze %dma_start3A_122 : memref<1x1x128xi32, #tpu.memory_space<vmem>> -> memref<128xi32, #tpu.memory_space<vmem>>
      %dma_start3A_124 = arith.constant 0 : i32
      %dma_start3A_125 = arith.constant 0 : i32
      %dma_start3A_126 = tpu.memref_slice %arg7[%dma_start3A_124, %dma_start3A_125] : memref<64x64xf32, #tpu.memory_space<vmem_shared>> -> memref<64x64xf32, #tpu.memory_space<vmem_shared>>
      tpu.enqueue_indirect_dma source(%dma_start3A_126 : memref<64x64xf32, #tpu.memory_space<vmem_shared>>) target(%dma_start3A_120 : memref<128x64xf32, #tpu.memory_space<vmem>>) offsets(%dma_start3A_123 : memref<128xi32, #tpu.memory_space<vmem>>) semaphore(%arg9 : memref<!tpu.dma_semaphore, #tpu.memory_space<semaphore_mem>>)
      %dma_start3A_127 = arith.constant 0 : i32
      %dma_start3A_128 = arith.constant 2 : i32
      %dma_start3A_129 = arith.constant 0 : i32
      %dma_start3A_130 = arith.constant 2 : i32
      %dma_start3A_131 = arith.constant 0 : i32
      %dma_start3A_132 = arith.constant 0 : i32
      %dma_start3A_133 = tpu.memref_slice %arg6[%dma_start3A_129, %dma_start3A_130, %dma_start3A_131, %dma_start3A_132] : memref<2x4x128x64xf32, #tpu.memory_space<vmem>> -> memref<1x1x128x64xf32, #tpu.memory_space<vmem>>
      %dma_start3A_134 = tpu.memref_squeeze %dma_start3A_133 : memref<1x1x128x64xf32, #tpu.memory_space<vmem>> -> memref<128x64xf32, #tpu.memory_space<vmem>>
      %dma_start3A_135 = arith.constant 0 : i32
      %dma_start3A_136 = tpu.memref_slice %arg5[%dma_start3A_127, %dma_start3A_128, %dma_start3A_135] : memref<4x4x128xi32, #tpu.memory_space<vmem>> -> memref<1x1x128xi32, #tpu.memory_space<vmem>>
      %dma_start3A_137 = tpu.memref_squeeze %dma_start3A_136 : memref<1x1x128xi32, #tpu.memory_space<vmem>> -> memref<128xi32, #tpu.memory_space<vmem>>
      %dma_start3A_138 = arith.constant 0 : i32
      %dma_start3A_139 = arith.constant 0 : i32
      %dma_start3A_140 = tpu.memref_slice %arg7[%dma_start3A_138, %dma_start3A_139] : memref<64x64xf32, #tpu.memory_space<vmem_shared>> -> memref<64x64xf32, #tpu.memory_space<vmem_shared>>
      tpu.enqueue_indirect_dma source(%dma_start3A_140 : memref<64x64xf32, #tpu.memory_space<vmem_shared>>) target(%dma_start3A_134 : memref<128x64xf32, #tpu.memory_space<vmem>>) offsets(%dma_start3A_137 : memref<128xi32, #tpu.memory_space<vmem>>) semaphore(%arg9 : memref<!tpu.dma_semaphore, #tpu.memory_space<semaphore_mem>>)
      %dma_start3A_141 = arith.constant 0 : i32
      %dma_start3A_142 = arith.constant 3 : i32
      %dma_start3A_143 = arith.constant 0 : i32
      %dma_start3A_144 = arith.constant 3 : i32
      %dma_start3A_145 = arith.constant 0 : i32
      %dma_start3A_146 = arith.constant 0 : i32
      %dma_start3A_147 = tpu.memref_slice %arg6[%dma_start3A_143, %dma_start3A_144, %dma_start3A_145, %dma_start3A_146] : memref<2x4x128x64xf32, #tpu.memory_space<vmem>> -> memref<1x1x128x64xf32, #tpu.memory_space<vmem>>
      %dma_start3A_148 = tpu.memref_squeeze %dma_start3A_147 : memref<1x1x128x64xf32, #tpu.memory_space<vmem>> -> memref<128x64xf32, #tpu.memory_space<vmem>>
      %dma_start3A_149 = arith.constant 0 : i32
      %dma_start3A_150 = tpu.memref_slice %arg5[%dma_start3A_141, %dma_start3A_142, %dma_start3A_149] : memref<4x4x128xi32, #tpu.memory_space<vmem>> -> memref<1x1x128xi32, #tpu.memory_space<vmem>>
      %dma_start3A_151 = tpu.memref_squeeze %dma_start3A_150 : memref<1x1x128xi32, #tpu.memory_space<vmem>> -> memref<128xi32, #tpu.memory_space<vmem>>
      %dma_start3A_152 = arith.constant 0 : i32
      %dma_start3A_153 = arith.constant 0 : i32
      %dma_start3A_154 = tpu.memref_slice %arg7[%dma_start3A_152, %dma_start3A_153] : memref<64x64xf32, #tpu.memory_space<vmem_shared>> -> memref<64x64xf32, #tpu.memory_space<vmem_shared>>
      tpu.enqueue_indirect_dma source(%dma_start3A_154 : memref<64x64xf32, #tpu.memory_space<vmem_shared>>) target(%dma_start3A_148 : memref<128x64xf32, #tpu.memory_space<vmem>>) offsets(%dma_start3A_151 : memref<128xi32, #tpu.memory_space<vmem>>) semaphore(%arg9 : memref<!tpu.dma_semaphore, #tpu.memory_space<semaphore_mem>>)
      %add3A_155 = arith.constant 2 : i32
      %add3A_156 = arith.addi %add3A_78, %add3A_155 : i32
      %lt3A = arith.constant 200 : i32
      %lt3A_157 = arith.cmpi slt, %add3A_156, %lt3A : i32
      %convert_element_type3A_158 = arith.extui %lt3A_157 : i1 to i32
      %cond3A_159 = arith.constant 0 : i32
      %cond3A_160 = arith.cmpi ne, %convert_element_type3A_158, %cond3A_159 : i32
      scf.if %cond3A_160 {
        %add3A_717 = arith.constant 8 : i32
        %add3A_718 = arith.addi %add3A_81, %add3A_717 : i32
        %dma_start3A_719 = arith.constant 2 : i32
        %dma_start3A_720 = arith.constant 0 : i32
        %dma_start3A_721 = arith.constant 0 : i32
        %dma_start3A_722 = tpu.memref_slice %arg5[%dma_start3A_719, %dma_start3A_720, %dma_start3A_721] : memref<4x4x128xi32, #tpu.memory_space<vmem>> -> memref<1x4x128xi32, #tpu.memory_space<vmem>>
        %dma_start3A_723 = tpu.memref_squeeze %dma_start3A_722 : memref<1x4x128xi32, #tpu.memory_space<vmem>> -> memref<4x128xi32, #tpu.memory_space<vmem>>
        %dma_start3A_724 = arith.constant 0 : i32
        %dma_start3A_725 = tpu.memref_slice %arg2[%add3A_718, %dma_start3A_724] : memref<25600x128xi32, #tpu.memory_space<hbm>> -> memref<4x128xi32, #tpu.memory_space<hbm>>
        %dma_start3A_726 = arith.constant 0 : i32
        %dma_start3A_727 = arith.constant 0 : i32
        %dma_start3A_728 = tpu.memref_slice %arg5[%dma_start3A_719, %dma_start3A_726, %dma_start3A_727] : memref<4x4x128xi32, #tpu.memory_space<vmem>> -> memref<1x4x128xi32, #tpu.memory_space<vmem>>
        %dma_start3A_729 = tpu.memref_squeeze %dma_start3A_728 : memref<1x4x128xi32, #tpu.memory_space<vmem>> -> memref<4x128xi32, #tpu.memory_space<vmem>>
        %dma_start3A_730 = arith.constant 0 : i32
        %dma_start3A_731 = tpu.memref_slice %arg2[%add3A_718, %dma_start3A_730] : memref<25600x128xi32, #tpu.memory_space<hbm>> -> memref<4x128xi32, #tpu.memory_space<hbm>>
        tpu.enqueue_dma source(%dma_start3A_731 : memref<4x128xi32, #tpu.memory_space<hbm>>) target(%dma_start3A_729 : memref<4x128xi32, #tpu.memory_space<vmem>>) target_semaphore(%arg8 : memref<!tpu.dma_semaphore, #tpu.memory_space<semaphore_mem>>)
      } else {
      }
      %dma_wait3A_161 = arith.constant 0 : i32
      %dma_wait3A_162 = arith.constant 0 : i32
      %dma_wait3A_163 = arith.constant 0 : i32
      %dma_wait3A_164 = arith.constant 0 : i32
      %dma_wait3A_165 = arith.constant 0 : i32
      %dma_wait3A_166 = arith.constant 0 : i32
      %dma_wait3A_167 = tpu.memref_slice %arg6[%dma_wait3A_163, %dma_wait3A_164, %dma_wait3A_165, %dma_wait3A_166] : memref<2x4x128x64xf32, #tpu.memory_space<vmem>> -> memref<1x1x128x64xf32, #tpu.memory_space<vmem>>
      %dma_wait3A_168 = tpu.memref_squeeze %dma_wait3A_167 : memref<1x1x128x64xf32, #tpu.memory_space<vmem>> -> memref<128x64xf32, #tpu.memory_space<vmem>>
      %dma_wait3A_169 = arith.constant 0 : i32
      %dma_wait3A_170 = tpu.memref_slice %arg5[%dma_wait3A_161, %dma_wait3A_162, %dma_wait3A_169] : memref<4x4x128xi32, #tpu.memory_space<vmem>> -> memref<1x1x128xi32, #tpu.memory_space<vmem>>
      %dma_wait3A_171 = tpu.memref_squeeze %dma_wait3A_170 : memref<1x1x128xi32, #tpu.memory_space<vmem>> -> memref<128xi32, #tpu.memory_space<vmem>>
      %dma_wait3A_172 = arith.constant 0 : i32
      %dma_wait3A_173 = arith.constant 0 : i32
      %dma_wait3A_174 = tpu.memref_slice %arg7[%dma_wait3A_172, %dma_wait3A_173] : memref<64x64xf32, #tpu.memory_space<vmem_shared>> -> memref<64x64xf32, #tpu.memory_space<vmem_shared>>
      tpu.wait_indirect_dma semaphore(%arg9 : memref<!tpu.dma_semaphore, #tpu.memory_space<semaphore_mem>>) src(%dma_wait3A_174 : memref<64x64xf32, #tpu.memory_space<vmem_shared>>) dst(%dma_wait3A_168 : memref<128x64xf32, #tpu.memory_space<vmem>>)
      %dma_wait3A_175 = arith.constant 0 : i32
      %dma_wait3A_176 = arith.constant 1 : i32
      %dma_wait3A_177 = arith.constant 0 : i32
      %dma_wait3A_178 = arith.constant 1 : i32
      %dma_wait3A_179 = arith.constant 0 : i32
      %dma_wait3A_180 = arith.constant 0 : i32
      %dma_wait3A_181 = tpu.memref_slice %arg6[%dma_wait3A_177, %dma_wait3A_178, %dma_wait3A_179, %dma_wait3A_180] : memref<2x4x128x64xf32, #tpu.memory_space<vmem>> -> memref<1x1x128x64xf32, #tpu.memory_space<vmem>>
      %dma_wait3A_182 = tpu.memref_squeeze %dma_wait3A_181 : memref<1x1x128x64xf32, #tpu.memory_space<vmem>> -> memref<128x64xf32, #tpu.memory_space<vmem>>
      %dma_wait3A_183 = arith.constant 0 : i32
      %dma_wait3A_184 = tpu.memref_slice %arg5[%dma_wait3A_175, %dma_wait3A_176, %dma_wait3A_183] : memref<4x4x128xi32, #tpu.memory_space<vmem>> -> memref<1x1x128xi32, #tpu.memory_space<vmem>>
      %dma_wait3A_185 = tpu.memref_squeeze %dma_wait3A_184 : memref<1x1x128xi32, #tpu.memory_space<vmem>> -> memref<128xi32, #tpu.memory_space<vmem>>
      %dma_wait3A_186 = arith.constant 0 : i32
      %dma_wait3A_187 = arith.constant 0 : i32
      %dma_wait3A_188 = tpu.memref_slice %arg7[%dma_wait3A_186, %dma_wait3A_187] : memref<64x64xf32, #tpu.memory_space<vmem_shared>> -> memref<64x64xf32, #tpu.memory_space<vmem_shared>>
      tpu.wait_indirect_dma semaphore(%arg9 : memref<!tpu.dma_semaphore, #tpu.memory_space<semaphore_mem>>) src(%dma_wait3A_188 : memref<64x64xf32, #tpu.memory_space<vmem_shared>>) dst(%dma_wait3A_182 : memref<128x64xf32, #tpu.memory_space<vmem>>)
      %dma_wait3A_189 = arith.constant 0 : i32
      %dma_wait3A_190 = arith.constant 2 : i32
      %dma_wait3A_191 = arith.constant 0 : i32
      %dma_wait3A_192 = arith.constant 2 : i32
      %dma_wait3A_193 = arith.constant 0 : i32
      %dma_wait3A_194 = arith.constant 0 : i32
      %dma_wait3A_195 = tpu.memref_slice %arg6[%dma_wait3A_191, %dma_wait3A_192, %dma_wait3A_193, %dma_wait3A_194] : memref<2x4x128x64xf32, #tpu.memory_space<vmem>> -> memref<1x1x128x64xf32, #tpu.memory_space<vmem>>
      %dma_wait3A_196 = tpu.memref_squeeze %dma_wait3A_195 : memref<1x1x128x64xf32, #tpu.memory_space<vmem>> -> memref<128x64xf32, #tpu.memory_space<vmem>>
      %dma_wait3A_197 = arith.constant 0 : i32
      %dma_wait3A_198 = tpu.memref_slice %arg5[%dma_wait3A_189, %dma_wait3A_190, %dma_wait3A_197] : memref<4x4x128xi32, #tpu.memory_space<vmem>> -> memref<1x1x128xi32, #tpu.memory_space<vmem>>
      %dma_wait3A_199 = tpu.memref_squeeze %dma_wait3A_198 : memref<1x1x128xi32, #tpu.memory_space<vmem>> -> memref<128xi32, #tpu.memory_space<vmem>>
      %dma_wait3A_200 = arith.constant 0 : i32
      %dma_wait3A_201 = arith.constant 0 : i32
      %dma_wait3A_202 = tpu.memref_slice %arg7[%dma_wait3A_200, %dma_wait3A_201] : memref<64x64xf32, #tpu.memory_space<vmem_shared>> -> memref<64x64xf32, #tpu.memory_space<vmem_shared>>
      tpu.wait_indirect_dma semaphore(%arg9 : memref<!tpu.dma_semaphore, #tpu.memory_space<semaphore_mem>>) src(%dma_wait3A_202 : memref<64x64xf32, #tpu.memory_space<vmem_shared>>) dst(%dma_wait3A_196 : memref<128x64xf32, #tpu.memory_space<vmem>>)
      %dma_wait3A_203 = arith.constant 0 : i32
      %dma_wait3A_204 = arith.constant 3 : i32
      %dma_wait3A_205 = arith.constant 0 : i32
      %dma_wait3A_206 = arith.constant 3 : i32
      %dma_wait3A_207 = arith.constant 0 : i32
      %dma_wait3A_208 = arith.constant 0 : i32
      %dma_wait3A_209 = tpu.memref_slice %arg6[%dma_wait3A_205, %dma_wait3A_206, %dma_wait3A_207, %dma_wait3A_208] : memref<2x4x128x64xf32, #tpu.memory_space<vmem>> -> memref<1x1x128x64xf32, #tpu.memory_space<vmem>>
      %dma_wait3A_210 = tpu.memref_squeeze %dma_wait3A_209 : memref<1x1x128x64xf32, #tpu.memory_space<vmem>> -> memref<128x64xf32, #tpu.memory_space<vmem>>
      %dma_wait3A_211 = arith.constant 0 : i32
      %dma_wait3A_212 = tpu.memref_slice %arg5[%dma_wait3A_203, %dma_wait3A_204, %dma_wait3A_211] : memref<4x4x128xi32, #tpu.memory_space<vmem>> -> memref<1x1x128xi32, #tpu.memory_space<vmem>>
      %dma_wait3A_213 = tpu.memref_squeeze %dma_wait3A_212 : memref<1x1x128xi32, #tpu.memory_space<vmem>> -> memref<128xi32, #tpu.memory_space<vmem>>
      %dma_wait3A_214 = arith.constant 0 : i32
      %dma_wait3A_215 = arith.constant 0 : i32
      %dma_wait3A_216 = tpu.memref_slice %arg7[%dma_wait3A_214, %dma_wait3A_215] : memref<64x64xf32, #tpu.memory_space<vmem_shared>> -> memref<64x64xf32, #tpu.memory_space<vmem_shared>>
      tpu.wait_indirect_dma semaphore(%arg9 : memref<!tpu.dma_semaphore, #tpu.memory_space<semaphore_mem>>) src(%dma_wait3A_216 : memref<64x64xf32, #tpu.memory_space<vmem_shared>>) dst(%dma_wait3A_210 : memref<128x64xf32, #tpu.memory_space<vmem>>)
      %dma_start3A_217 = arith.constant 0 : i32
      %dma_start3A_218 = arith.constant 0 : i32
      %dma_start3A_219 = arith.constant 0 : i32
      %dma_start3A_220 = arith.constant 0 : i32
      %dma_start3A_221 = tpu.memref_slice %arg6[%dma_start3A_217, %dma_start3A_218, %dma_start3A_219, %dma_start3A_220] : memref<2x4x128x64xf32, #tpu.memory_space<vmem>> -> memref<1x4x128x64xf32, #tpu.memory_space<vmem>>
      %dma_start3A_222 = tpu.memref_squeeze %dma_start3A_221 : memref<1x4x128x64xf32, #tpu.memory_space<vmem>> -> memref<4x128x64xf32, #tpu.memory_space<vmem>>
      %dma_start3A_223 = arith.constant 0 : i32
      %dma_start3A_224 = arith.constant 0 : i32
      %dma_start3A_225 = tpu.memref_slice %arg4[%add3A_81, %dma_start3A_223, %dma_start3A_224] : memref<25600x128x64xf32, #tpu.memory_space<hbm>> -> memref<4x128x64xf32, #tpu.memory_space<hbm>>
      %dma_start3A_226 = arith.constant 0 : i32
      %dma_start3A_227 = arith.constant 0 : i32
      %dma_start3A_228 = tpu.memref_slice %arg4[%add3A_81, %dma_start3A_226, %dma_start3A_227] : memref<25600x128x64xf32, #tpu.memory_space<hbm>> -> memref<4x128x64xf32, #tpu.memory_space<hbm>>
      %dma_start3A_229 = arith.constant 0 : i32
      %dma_start3A_230 = arith.constant 0 : i32
      %dma_start3A_231 = arith.constant 0 : i32
      %dma_start3A_232 = tpu.memref_slice %arg6[%dma_start3A_217, %dma_start3A_229, %dma_start3A_230, %dma_start3A_231] : memref<2x4x128x64xf32, #tpu.memory_space<vmem>> -> memref<1x4x128x64xf32, #tpu.memory_space<vmem>>
      %dma_start3A_233 = tpu.memref_squeeze %dma_start3A_232 : memref<1x4x128x64xf32, #tpu.memory_space<vmem>> -> memref<4x128x64xf32, #tpu.memory_space<vmem>>
      tpu.enqueue_dma source(%dma_start3A_233 : memref<4x128x64xf32, #tpu.memory_space<vmem>>) target(%dma_start3A_228 : memref<4x128x64xf32, #tpu.memory_space<hbm>>) target_semaphore(%arg10 : memref<!tpu.dma_semaphore, #tpu.memory_space<semaphore_mem>>)
      %mul3A_234 = arith.constant 4 : i32
      %mul3A_235 = arith.muli %scan3A_74, %mul3A_234 : i32
      %add3A_236 = arith.constant 1 : i32
      %add3A_237 = arith.addi %mul3A_235, %add3A_236 : i32
      %mul3A_238 = arith.constant 4 : i32
      %mul3A_239 = arith.muli %add3A_237, %mul3A_238 : i32
      %add3A_240 = arith.addi %mul3A_2, %mul3A_239 : i32
      %dma_wait3A_241 = arith.constant 1 : i32
      %dma_wait3A_242 = arith.constant 0 : i32
      %dma_wait3A_243 = arith.constant 0 : i32
      %dma_wait3A_244 = tpu.memref_slice %arg5[%dma_wait3A_241, %dma_wait3A_242, %dma_wait3A_243] : memref<4x4x128xi32, #tpu.memory_space<vmem>> -> memref<1x4x128xi32, #tpu.memory_space<vmem>>
      %dma_wait3A_245 = tpu.memref_squeeze %dma_wait3A_244 : memref<1x4x128xi32, #tpu.memory_space<vmem>> -> memref<4x128xi32, #tpu.memory_space<vmem>>
      %dma_wait3A_246 = arith.constant 0 : i32
      %dma_wait3A_247 = tpu.memref_slice %arg2[%add3A_240, %dma_wait3A_246] : memref<25600x128xi32, #tpu.memory_space<hbm>> -> memref<4x128xi32, #tpu.memory_space<hbm>>
      %dma_wait3A_248 = arith.constant 0 : i32
      %dma_wait3A_249 = arith.constant 0 : i32
      %dma_wait3A_250 = tpu.memref_slice %arg5[%dma_wait3A_241, %dma_wait3A_248, %dma_wait3A_249] : memref<4x4x128xi32, #tpu.memory_space<vmem>> -> memref<1x4x128xi32, #tpu.memory_space<vmem>>
      %dma_wait3A_251 = tpu.memref_squeeze %dma_wait3A_250 : memref<1x4x128xi32, #tpu.memory_space<vmem>> -> memref<4x128xi32, #tpu.memory_space<vmem>>
      %dma_wait3A_252 = arith.constant 0 : i32
      %dma_wait3A_253 = tpu.memref_slice %arg2[%add3A_240, %dma_wait3A_252] : memref<25600x128xi32, #tpu.memory_space<hbm>> -> memref<4x128xi32, #tpu.memory_space<hbm>>
      tpu.wait_dma2 semaphore(%arg8 : memref<!tpu.dma_semaphore, #tpu.memory_space<semaphore_mem>>) src(%dma_wait3A_253 : memref<4x128xi32, #tpu.memory_space<hbm>>) dst(%dma_wait3A_251 : memref<4x128xi32, #tpu.memory_space<vmem>>)
      %ge3A_254 = arith.constant 2 : i32
      %ge3A_255 = arith.cmpi sge, %add3A_237, %ge3A_254 : i32
      %convert_element_type3A_256 = arith.extui %ge3A_255 : i1 to i32
      %cond3A_257 = arith.constant 0 : i32
      %cond3A_258 = arith.cmpi ne, %convert_element_type3A_256, %cond3A_257 : i32
      scf.if %cond3A_258 {
        %sub3A = arith.constant 8 : i32
        %sub3A_717 = arith.subi %add3A_240, %sub3A : i32
        %dma_wait3A_718 = arith.constant 1 : i32
        %dma_wait3A_719 = arith.constant 0 : i32
        %dma_wait3A_720 = arith.constant 0 : i32
        %dma_wait3A_721 = arith.constant 0 : i32
        %dma_wait3A_722 = tpu.memref_slice %arg6[%dma_wait3A_718, %dma_wait3A_719, %dma_wait3A_720, %dma_wait3A_721] : memref<2x4x128x64xf32, #tpu.memory_space<vmem>> -> memref<1x4x128x64xf32, #tpu.memory_space<vmem>>
        %dma_wait3A_723 = tpu.memref_squeeze %dma_wait3A_722 : memref<1x4x128x64xf32, #tpu.memory_space<vmem>> -> memref<4x128x64xf32, #tpu.memory_space<vmem>>
        %dma_wait3A_724 = arith.constant 0 : i32
        %dma_wait3A_725 = arith.constant 0 : i32
        %dma_wait3A_726 = tpu.memref_slice %arg4[%sub3A_717, %dma_wait3A_724, %dma_wait3A_725] : memref<25600x128x64xf32, #tpu.memory_space<hbm>> -> memref<4x128x64xf32, #tpu.memory_space<hbm>>
        %dma_wait3A_727 = arith.constant 0 : i32
        %dma_wait3A_728 = arith.constant 0 : i32
        %dma_wait3A_729 = tpu.memref_slice %arg4[%sub3A_717, %dma_wait3A_727, %dma_wait3A_728] : memref<25600x128x64xf32, #tpu.memory_space<hbm>> -> memref<4x128x64xf32, #tpu.memory_space<hbm>>
        %dma_wait3A_730 = arith.constant 0 : i32
        %dma_wait3A_731 = arith.constant 0 : i32
        %dma_wait3A_732 = arith.constant 0 : i32
        %dma_wait3A_733 = tpu.memref_slice %arg6[%dma_wait3A_718, %dma_wait3A_730, %dma_wait3A_731, %dma_wait3A_732] : memref<2x4x128x64xf32, #tpu.memory_space<vmem>> -> memref<1x4x128x64xf32, #tpu.memory_space<vmem>>
        %dma_wait3A_734 = tpu.memref_squeeze %dma_wait3A_733 : memref<1x4x128x64xf32, #tpu.memory_space<vmem>> -> memref<4x128x64xf32, #tpu.memory_space<vmem>>
        tpu.wait_dma2 semaphore(%arg10 : memref<!tpu.dma_semaphore, #tpu.memory_space<semaphore_mem>>) src(%dma_wait3A_734 : memref<4x128x64xf32, #tpu.memory_space<vmem>>) dst(%dma_wait3A_729 : memref<4x128x64xf32, #tpu.memory_space<hbm>>)
      } else {
      }
      %dma_start3A_259 = arith.constant 1 : i32
      %dma_start3A_260 = arith.constant 0 : i32
      %dma_start3A_261 = arith.constant 1 : i32
      %dma_start3A_262 = arith.constant 0 : i32
      %dma_start3A_263 = arith.constant 0 : i32
      %dma_start3A_264 = arith.constant 0 : i32
      %dma_start3A_265 = tpu.memref_slice %arg6[%dma_start3A_261, %dma_start3A_262, %dma_start3A_263, %dma_start3A_264] : memref<2x4x128x64xf32, #tpu.memory_space<vmem>> -> memref<1x1x128x64xf32, #tpu.memory_space<vmem>>
      %dma_start3A_266 = tpu.memref_squeeze %dma_start3A_265 : memref<1x1x128x64xf32, #tpu.memory_space<vmem>> -> memref<128x64xf32, #tpu.memory_space<vmem>>
      %dma_start3A_267 = arith.constant 0 : i32
      %dma_start3A_268 = tpu.memref_slice %arg5[%dma_start3A_259, %dma_start3A_260, %dma_start3A_267] : memref<4x4x128xi32, #tpu.memory_space<vmem>> -> memref<1x1x128xi32, #tpu.memory_space<vmem>>
      %dma_start3A_269 = tpu.memref_squeeze %dma_start3A_268 : memref<1x1x128xi32, #tpu.memory_space<vmem>> -> memref<128xi32, #tpu.memory_space<vmem>>
      %dma_start3A_270 = arith.constant 0 : i32
      %dma_start3A_271 = arith.constant 0 : i32
      %dma_start3A_272 = tpu.memref_slice %arg7[%dma_start3A_270, %dma_start3A_271] : memref<64x64xf32, #tpu.memory_space<vmem_shared>> -> memref<64x64xf32, #tpu.memory_space<vmem_shared>>
      tpu.enqueue_indirect_dma source(%dma_start3A_272 : memref<64x64xf32, #tpu.memory_space<vmem_shared>>) target(%dma_start3A_266 : memref<128x64xf32, #tpu.memory_space<vmem>>) offsets(%dma_start3A_269 : memref<128xi32, #tpu.memory_space<vmem>>) semaphore(%arg9 : memref<!tpu.dma_semaphore, #tpu.memory_space<semaphore_mem>>)
      %dma_start3A_273 = arith.constant 1 : i32
      %dma_start3A_274 = arith.constant 1 : i32
      %dma_start3A_275 = arith.constant 1 : i32
      %dma_start3A_276 = arith.constant 1 : i32
      %dma_start3A_277 = arith.constant 0 : i32
      %dma_start3A_278 = arith.constant 0 : i32
      %dma_start3A_279 = tpu.memref_slice %arg6[%dma_start3A_275, %dma_start3A_276, %dma_start3A_277, %dma_start3A_278] : memref<2x4x128x64xf32, #tpu.memory_space<vmem>> -> memref<1x1x128x64xf32, #tpu.memory_space<vmem>>
      %dma_start3A_280 = tpu.memref_squeeze %dma_start3A_279 : memref<1x1x128x64xf32, #tpu.memory_space<vmem>> -> memref<128x64xf32, #tpu.memory_space<vmem>>
      %dma_start3A_281 = arith.constant 0 : i32
      %dma_start3A_282 = tpu.memref_slice %arg5[%dma_start3A_273, %dma_start3A_274, %dma_start3A_281] : memref<4x4x128xi32, #tpu.memory_space<vmem>> -> memref<1x1x128xi32, #tpu.memory_space<vmem>>
      %dma_start3A_283 = tpu.memref_squeeze %dma_start3A_282 : memref<1x1x128xi32, #tpu.memory_space<vmem>> -> memref<128xi32, #tpu.memory_space<vmem>>
      %dma_start3A_284 = arith.constant 0 : i32
      %dma_start3A_285 = arith.constant 0 : i32
      %dma_start3A_286 = tpu.memref_slice %arg7[%dma_start3A_284, %dma_start3A_285] : memref<64x64xf32, #tpu.memory_space<vmem_shared>> -> memref<64x64xf32, #tpu.memory_space<vmem_shared>>
      tpu.enqueue_indirect_dma source(%dma_start3A_286 : memref<64x64xf32, #tpu.memory_space<vmem_shared>>) target(%dma_start3A_280 : memref<128x64xf32, #tpu.memory_space<vmem>>) offsets(%dma_start3A_283 : memref<128xi32, #tpu.memory_space<vmem>>) semaphore(%arg9 : memref<!tpu.dma_semaphore, #tpu.memory_space<semaphore_mem>>)
      %dma_start3A_287 = arith.constant 1 : i32
      %dma_start3A_288 = arith.constant 2 : i32
      %dma_start3A_289 = arith.constant 1 : i32
      %dma_start3A_290 = arith.constant 2 : i32
      %dma_start3A_291 = arith.constant 0 : i32
      %dma_start3A_292 = arith.constant 0 : i32
      %dma_start3A_293 = tpu.memref_slice %arg6[%dma_start3A_289, %dma_start3A_290, %dma_start3A_291, %dma_start3A_292] : memref<2x4x128x64xf32, #tpu.memory_space<vmem>> -> memref<1x1x128x64xf32, #tpu.memory_space<vmem>>
      %dma_start3A_294 = tpu.memref_squeeze %dma_start3A_293 : memref<1x1x128x64xf32, #tpu.memory_space<vmem>> -> memref<128x64xf32, #tpu.memory_space<vmem>>
      %dma_start3A_295 = arith.constant 0 : i32
      %dma_start3A_296 = tpu.memref_slice %arg5[%dma_start3A_287, %dma_start3A_288, %dma_start3A_295] : memref<4x4x128xi32, #tpu.memory_space<vmem>> -> memref<1x1x128xi32, #tpu.memory_space<vmem>>
      %dma_start3A_297 = tpu.memref_squeeze %dma_start3A_296 : memref<1x1x128xi32, #tpu.memory_space<vmem>> -> memref<128xi32, #tpu.memory_space<vmem>>
      %dma_start3A_298 = arith.constant 0 : i32
      %dma_start3A_299 = arith.constant 0 : i32
      %dma_start3A_300 = tpu.memref_slice %arg7[%dma_start3A_298, %dma_start3A_299] : memref<64x64xf32, #tpu.memory_space<vmem_shared>> -> memref<64x64xf32, #tpu.memory_space<vmem_shared>>
      tpu.enqueue_indirect_dma source(%dma_start3A_300 : memref<64x64xf32, #tpu.memory_space<vmem_shared>>) target(%dma_start3A_294 : memref<128x64xf32, #tpu.memory_space<vmem>>) offsets(%dma_start3A_297 : memref<128xi32, #tpu.memory_space<vmem>>) semaphore(%arg9 : memref<!tpu.dma_semaphore, #tpu.memory_space<semaphore_mem>>)
      %dma_start3A_301 = arith.constant 1 : i32
      %dma_start3A_302 = arith.constant 3 : i32
      %dma_start3A_303 = arith.constant 1 : i32
      %dma_start3A_304 = arith.constant 3 : i32
      %dma_start3A_305 = arith.constant 0 : i32
      %dma_start3A_306 = arith.constant 0 : i32
      %dma_start3A_307 = tpu.memref_slice %arg6[%dma_start3A_303, %dma_start3A_304, %dma_start3A_305, %dma_start3A_306] : memref<2x4x128x64xf32, #tpu.memory_space<vmem>> -> memref<1x1x128x64xf32, #tpu.memory_space<vmem>>
      %dma_start3A_308 = tpu.memref_squeeze %dma_start3A_307 : memref<1x1x128x64xf32, #tpu.memory_space<vmem>> -> memref<128x64xf32, #tpu.memory_space<vmem>>
      %dma_start3A_309 = arith.constant 0 : i32
      %dma_start3A_310 = tpu.memref_slice %arg5[%dma_start3A_301, %dma_start3A_302, %dma_start3A_309] : memref<4x4x128xi32, #tpu.memory_space<vmem>> -> memref<1x1x128xi32, #tpu.memory_space<vmem>>
      %dma_start3A_311 = tpu.memref_squeeze %dma_start3A_310 : memref<1x1x128xi32, #tpu.memory_space<vmem>> -> memref<128xi32, #tpu.memory_space<vmem>>
      %dma_start3A_312 = arith.constant 0 : i32
      %dma_start3A_313 = arith.constant 0 : i32
      %dma_start3A_314 = tpu.memref_slice %arg7[%dma_start3A_312, %dma_start3A_313] : memref<64x64xf32, #tpu.memory_space<vmem_shared>> -> memref<64x64xf32, #tpu.memory_space<vmem_shared>>
      tpu.enqueue_indirect_dma source(%dma_start3A_314 : memref<64x64xf32, #tpu.memory_space<vmem_shared>>) target(%dma_start3A_308 : memref<128x64xf32, #tpu.memory_space<vmem>>) offsets(%dma_start3A_311 : memref<128xi32, #tpu.memory_space<vmem>>) semaphore(%arg9 : memref<!tpu.dma_semaphore, #tpu.memory_space<semaphore_mem>>)
      %add3A_315 = arith.constant 2 : i32
      %add3A_316 = arith.addi %add3A_237, %add3A_315 : i32
      %lt3A_317 = arith.constant 200 : i32
      %lt3A_318 = arith.cmpi slt, %add3A_316, %lt3A_317 : i32
      %convert_element_type3A_319 = arith.extui %lt3A_318 : i1 to i32
      %cond3A_320 = arith.constant 0 : i32
      %cond3A_321 = arith.cmpi ne, %convert_element_type3A_319, %cond3A_320 : i32
      scf.if %cond3A_321 {
        %add3A_717 = arith.constant 8 : i32
        %add3A_718 = arith.addi %add3A_240, %add3A_717 : i32
        %dma_start3A_719 = arith.constant 3 : i32
        %dma_start3A_720 = arith.constant 0 : i32
        %dma_start3A_721 = arith.constant 0 : i32
        %dma_start3A_722 = tpu.memref_slice %arg5[%dma_start3A_719, %dma_start3A_720, %dma_start3A_721] : memref<4x4x128xi32, #tpu.memory_space<vmem>> -> memref<1x4x128xi32, #tpu.memory_space<vmem>>
        %dma_start3A_723 = tpu.memref_squeeze %dma_start3A_722 : memref<1x4x128xi32, #tpu.memory_space<vmem>> -> memref<4x128xi32, #tpu.memory_space<vmem>>
        %dma_start3A_724 = arith.constant 0 : i32
        %dma_start3A_725 = tpu.memref_slice %arg2[%add3A_718, %dma_start3A_724] : memref<25600x128xi32, #tpu.memory_space<hbm>> -> memref<4x128xi32, #tpu.memory_space<hbm>>
        %dma_start3A_726 = arith.constant 0 : i32
        %dma_start3A_727 = arith.constant 0 : i32
        %dma_start3A_728 = tpu.memref_slice %arg5[%dma_start3A_719, %dma_start3A_726, %dma_start3A_727] : memref<4x4x128xi32, #tpu.memory_space<vmem>> -> memref<1x4x128xi32, #tpu.memory_space<vmem>>
        %dma_start3A_729 = tpu.memref_squeeze %dma_start3A_728 : memref<1x4x128xi32, #tpu.memory_space<vmem>> -> memref<4x128xi32, #tpu.memory_space<vmem>>
        %dma_start3A_730 = arith.constant 0 : i32
        %dma_start3A_731 = tpu.memref_slice %arg2[%add3A_718, %dma_start3A_730] : memref<25600x128xi32, #tpu.memory_space<hbm>> -> memref<4x128xi32, #tpu.memory_space<hbm>>
        tpu.enqueue_dma source(%dma_start3A_731 : memref<4x128xi32, #tpu.memory_space<hbm>>) target(%dma_start3A_729 : memref<4x128xi32, #tpu.memory_space<vmem>>) target_semaphore(%arg8 : memref<!tpu.dma_semaphore, #tpu.memory_space<semaphore_mem>>)
      } else {
      }
      %dma_wait3A_322 = arith.constant 1 : i32
      %dma_wait3A_323 = arith.constant 0 : i32
      %dma_wait3A_324 = arith.constant 1 : i32
      %dma_wait3A_325 = arith.constant 0 : i32
      %dma_wait3A_326 = arith.constant 0 : i32
      %dma_wait3A_327 = arith.constant 0 : i32
      %dma_wait3A_328 = tpu.memref_slice %arg6[%dma_wait3A_324, %dma_wait3A_325, %dma_wait3A_326, %dma_wait3A_327] : memref<2x4x128x64xf32, #tpu.memory_space<vmem>> -> memref<1x1x128x64xf32, #tpu.memory_space<vmem>>
      %dma_wait3A_329 = tpu.memref_squeeze %dma_wait3A_328 : memref<1x1x128x64xf32, #tpu.memory_space<vmem>> -> memref<128x64xf32, #tpu.memory_space<vmem>>
      %dma_wait3A_330 = arith.constant 0 : i32
      %dma_wait3A_331 = tpu.memref_slice %arg5[%dma_wait3A_322, %dma_wait3A_323, %dma_wait3A_330] : memref<4x4x128xi32, #tpu.memory_space<vmem>> -> memref<1x1x128xi32, #tpu.memory_space<vmem>>
      %dma_wait3A_332 = tpu.memref_squeeze %dma_wait3A_331 : memref<1x1x128xi32, #tpu.memory_space<vmem>> -> memref<128xi32, #tpu.memory_space<vmem>>
      %dma_wait3A_333 = arith.constant 0 : i32
      %dma_wait3A_334 = arith.constant 0 : i32
      %dma_wait3A_335 = tpu.memref_slice %arg7[%dma_wait3A_333, %dma_wait3A_334] : memref<64x64xf32, #tpu.memory_space<vmem_shared>> -> memref<64x64xf32, #tpu.memory_space<vmem_shared>>
      tpu.wait_indirect_dma semaphore(%arg9 : memref<!tpu.dma_semaphore, #tpu.memory_space<semaphore_mem>>) src(%dma_wait3A_335 : memref<64x64xf32, #tpu.memory_space<vmem_shared>>) dst(%dma_wait3A_329 : memref<128x64xf32, #tpu.memory_space<vmem>>)
      %dma_wait3A_336 = arith.constant 1 : i32
      %dma_wait3A_337 = arith.constant 1 : i32
      %dma_wait3A_338 = arith.constant 1 : i32
      %dma_wait3A_339 = arith.constant 1 : i32
      %dma_wait3A_340 = arith.constant 0 : i32
      %dma_wait3A_341 = arith.constant 0 : i32
      %dma_wait3A_342 = tpu.memref_slice %arg6[%dma_wait3A_338, %dma_wait3A_339, %dma_wait3A_340, %dma_wait3A_341] : memref<2x4x128x64xf32, #tpu.memory_space<vmem>> -> memref<1x1x128x64xf32, #tpu.memory_space<vmem>>
      %dma_wait3A_343 = tpu.memref_squeeze %dma_wait3A_342 : memref<1x1x128x64xf32, #tpu.memory_space<vmem>> -> memref<128x64xf32, #tpu.memory_space<vmem>>
      %dma_wait3A_344 = arith.constant 0 : i32
      %dma_wait3A_345 = tpu.memref_slice %arg5[%dma_wait3A_336, %dma_wait3A_337, %dma_wait3A_344] : memref<4x4x128xi32, #tpu.memory_space<vmem>> -> memref<1x1x128xi32, #tpu.memory_space<vmem>>
      %dma_wait3A_346 = tpu.memref_squeeze %dma_wait3A_345 : memref<1x1x128xi32, #tpu.memory_space<vmem>> -> memref<128xi32, #tpu.memory_space<vmem>>
      %dma_wait3A_347 = arith.constant 0 : i32
      %dma_wait3A_348 = arith.constant 0 : i32
      %dma_wait3A_349 = tpu.memref_slice %arg7[%dma_wait3A_347, %dma_wait3A_348] : memref<64x64xf32, #tpu.memory_space<vmem_shared>> -> memref<64x64xf32, #tpu.memory_space<vmem_shared>>
      tpu.wait_indirect_dma semaphore(%arg9 : memref<!tpu.dma_semaphore, #tpu.memory_space<semaphore_mem>>) src(%dma_wait3A_349 : memref<64x64xf32, #tpu.memory_space<vmem_shared>>) dst(%dma_wait3A_343 : memref<128x64xf32, #tpu.memory_space<vmem>>)
      %dma_wait3A_350 = arith.constant 1 : i32
      %dma_wait3A_351 = arith.constant 2 : i32
      %dma_wait3A_352 = arith.constant 1 : i32
      %dma_wait3A_353 = arith.constant 2 : i32
      %dma_wait3A_354 = arith.constant 0 : i32
      %dma_wait3A_355 = arith.constant 0 : i32
      %dma_wait3A_356 = tpu.memref_slice %arg6[%dma_wait3A_352, %dma_wait3A_353, %dma_wait3A_354, %dma_wait3A_355] : memref<2x4x128x64xf32, #tpu.memory_space<vmem>> -> memref<1x1x128x64xf32, #tpu.memory_space<vmem>>
      %dma_wait3A_357 = tpu.memref_squeeze %dma_wait3A_356 : memref<1x1x128x64xf32, #tpu.memory_space<vmem>> -> memref<128x64xf32, #tpu.memory_space<vmem>>
      %dma_wait3A_358 = arith.constant 0 : i32
      %dma_wait3A_359 = tpu.memref_slice %arg5[%dma_wait3A_350, %dma_wait3A_351, %dma_wait3A_358] : memref<4x4x128xi32, #tpu.memory_space<vmem>> -> memref<1x1x128xi32, #tpu.memory_space<vmem>>
      %dma_wait3A_360 = tpu.memref_squeeze %dma_wait3A_359 : memref<1x1x128xi32, #tpu.memory_space<vmem>> -> memref<128xi32, #tpu.memory_space<vmem>>
      %dma_wait3A_361 = arith.constant 0 : i32
      %dma_wait3A_362 = arith.constant 0 : i32
      %dma_wait3A_363 = tpu.memref_slice %arg7[%dma_wait3A_361, %dma_wait3A_362] : memref<64x64xf32, #tpu.memory_space<vmem_shared>> -> memref<64x64xf32, #tpu.memory_space<vmem_shared>>
      tpu.wait_indirect_dma semaphore(%arg9 : memref<!tpu.dma_semaphore, #tpu.memory_space<semaphore_mem>>) src(%dma_wait3A_363 : memref<64x64xf32, #tpu.memory_space<vmem_shared>>) dst(%dma_wait3A_357 : memref<128x64xf32, #tpu.memory_space<vmem>>)
      %dma_wait3A_364 = arith.constant 1 : i32
      %dma_wait3A_365 = arith.constant 3 : i32
      %dma_wait3A_366 = arith.constant 1 : i32
      %dma_wait3A_367 = arith.constant 3 : i32
      %dma_wait3A_368 = arith.constant 0 : i32
      %dma_wait3A_369 = arith.constant 0 : i32
      %dma_wait3A_370 = tpu.memref_slice %arg6[%dma_wait3A_366, %dma_wait3A_367, %dma_wait3A_368, %dma_wait3A_369] : memref<2x4x128x64xf32, #tpu.memory_space<vmem>> -> memref<1x1x128x64xf32, #tpu.memory_space<vmem>>
      %dma_wait3A_371 = tpu.memref_squeeze %dma_wait3A_370 : memref<1x1x128x64xf32, #tpu.memory_space<vmem>> -> memref<128x64xf32, #tpu.memory_space<vmem>>
      %dma_wait3A_372 = arith.constant 0 : i32
      %dma_wait3A_373 = tpu.memref_slice %arg5[%dma_wait3A_364, %dma_wait3A_365, %dma_wait3A_372] : memref<4x4x128xi32, #tpu.memory_space<vmem>> -> memref<1x1x128xi32, #tpu.memory_space<vmem>>
      %dma_wait3A_374 = tpu.memref_squeeze %dma_wait3A_373 : memref<1x1x128xi32, #tpu.memory_space<vmem>> -> memref<128xi32, #tpu.memory_space<vmem>>
      %dma_wait3A_375 = arith.constant 0 : i32
      %dma_wait3A_376 = arith.constant 0 : i32
      %dma_wait3A_377 = tpu.memref_slice %arg7[%dma_wait3A_375, %dma_wait3A_376] : memref<64x64xf32, #tpu.memory_space<vmem_shared>> -> memref<64x64xf32, #tpu.memory_space<vmem_shared>>
      tpu.wait_indirect_dma semaphore(%arg9 : memref<!tpu.dma_semaphore, #tpu.memory_space<semaphore_mem>>) src(%dma_wait3A_377 : memref<64x64xf32, #tpu.memory_space<vmem_shared>>) dst(%dma_wait3A_371 : memref<128x64xf32, #tpu.memory_space<vmem>>)
      %dma_start3A_378 = arith.constant 1 : i32
      %dma_start3A_379 = arith.constant 0 : i32
      %dma_start3A_380 = arith.constant 0 : i32
      %dma_start3A_381 = arith.constant 0 : i32
      %dma_start3A_382 = tpu.memref_slice %arg6[%dma_start3A_378, %dma_start3A_379, %dma_start3A_380, %dma_start3A_381] : memref<2x4x128x64xf32, #tpu.memory_space<vmem>> -> memref<1x4x128x64xf32, #tpu.memory_space<vmem>>
      %dma_start3A_383 = tpu.memref_squeeze %dma_start3A_382 : memref<1x4x128x64xf32, #tpu.memory_space<vmem>> -> memref<4x128x64xf32, #tpu.memory_space<vmem>>
      %dma_start3A_384 = arith.constant 0 : i32
      %dma_start3A_385 = arith.constant 0 : i32
      %dma_start3A_386 = tpu.memref_slice %arg4[%add3A_240, %dma_start3A_384, %dma_start3A_385] : memref<25600x128x64xf32, #tpu.memory_space<hbm>> -> memref<4x128x64xf32, #tpu.memory_space<hbm>>
      %dma_start3A_387 = arith.constant 0 : i32
      %dma_start3A_388 = arith.constant 0 : i32
      %dma_start3A_389 = tpu.memref_slice %arg4[%add3A_240, %dma_start3A_387, %dma_start3A_388] : memref<25600x128x64xf32, #tpu.memory_space<hbm>> -> memref<4x128x64xf32, #tpu.memory_space<hbm>>
      %dma_start3A_390 = arith.constant 0 : i32
      %dma_start3A_391 = arith.constant 0 : i32
      %dma_start3A_392 = arith.constant 0 : i32
      %dma_start3A_393 = tpu.memref_slice %arg6[%dma_start3A_378, %dma_start3A_390, %dma_start3A_391, %dma_start3A_392] : memref<2x4x128x64xf32, #tpu.memory_space<vmem>> -> memref<1x4x128x64xf32, #tpu.memory_space<vmem>>
      %dma_start3A_394 = tpu.memref_squeeze %dma_start3A_393 : memref<1x4x128x64xf32, #tpu.memory_space<vmem>> -> memref<4x128x64xf32, #tpu.memory_space<vmem>>
      tpu.enqueue_dma source(%dma_start3A_394 : memref<4x128x64xf32, #tpu.memory_space<vmem>>) target(%dma_start3A_389 : memref<4x128x64xf32, #tpu.memory_space<hbm>>) target_semaphore(%arg10 : memref<!tpu.dma_semaphore, #tpu.memory_space<semaphore_mem>>)
      %mul3A_395 = arith.constant 4 : i32
      %mul3A_396 = arith.muli %scan3A_74, %mul3A_395 : i32
      %add3A_397 = arith.constant 2 : i32
      %add3A_398 = arith.addi %mul3A_396, %add3A_397 : i32
      %mul3A_399 = arith.constant 4 : i32
      %mul3A_400 = arith.muli %add3A_398, %mul3A_399 : i32
      %add3A_401 = arith.addi %mul3A_2, %mul3A_400 : i32
      %dma_wait3A_402 = arith.constant 2 : i32
      %dma_wait3A_403 = arith.constant 0 : i32
      %dma_wait3A_404 = arith.constant 0 : i32
      %dma_wait3A_405 = tpu.memref_slice %arg5[%dma_wait3A_402, %dma_wait3A_403, %dma_wait3A_404] : memref<4x4x128xi32, #tpu.memory_space<vmem>> -> memref<1x4x128xi32, #tpu.memory_space<vmem>>
      %dma_wait3A_406 = tpu.memref_squeeze %dma_wait3A_405 : memref<1x4x128xi32, #tpu.memory_space<vmem>> -> memref<4x128xi32, #tpu.memory_space<vmem>>
      %dma_wait3A_407 = arith.constant 0 : i32
      %dma_wait3A_408 = tpu.memref_slice %arg2[%add3A_401, %dma_wait3A_407] : memref<25600x128xi32, #tpu.memory_space<hbm>> -> memref<4x128xi32, #tpu.memory_space<hbm>>
      %dma_wait3A_409 = arith.constant 0 : i32
      %dma_wait3A_410 = arith.constant 0 : i32
      %dma_wait3A_411 = tpu.memref_slice %arg5[%dma_wait3A_402, %dma_wait3A_409, %dma_wait3A_410] : memref<4x4x128xi32, #tpu.memory_space<vmem>> -> memref<1x4x128xi32, #tpu.memory_space<vmem>>
      %dma_wait3A_412 = tpu.memref_squeeze %dma_wait3A_411 : memref<1x4x128xi32, #tpu.memory_space<vmem>> -> memref<4x128xi32, #tpu.memory_space<vmem>>
      %dma_wait3A_413 = arith.constant 0 : i32
      %dma_wait3A_414 = tpu.memref_slice %arg2[%add3A_401, %dma_wait3A_413] : memref<25600x128xi32, #tpu.memory_space<hbm>> -> memref<4x128xi32, #tpu.memory_space<hbm>>
      tpu.wait_dma2 semaphore(%arg8 : memref<!tpu.dma_semaphore, #tpu.memory_space<semaphore_mem>>) src(%dma_wait3A_414 : memref<4x128xi32, #tpu.memory_space<hbm>>) dst(%dma_wait3A_412 : memref<4x128xi32, #tpu.memory_space<vmem>>)
      %ge3A_415 = arith.constant 2 : i32
      %ge3A_416 = arith.cmpi sge, %add3A_398, %ge3A_415 : i32
      %convert_element_type3A_417 = arith.extui %ge3A_416 : i1 to i32
      %cond3A_418 = arith.constant 0 : i32
      %cond3A_419 = arith.cmpi ne, %convert_element_type3A_417, %cond3A_418 : i32
      scf.if %cond3A_419 {
        %sub3A = arith.constant 8 : i32
        %sub3A_717 = arith.subi %add3A_401, %sub3A : i32
        %dma_wait3A_718 = arith.constant 0 : i32
        %dma_wait3A_719 = arith.constant 0 : i32
        %dma_wait3A_720 = arith.constant 0 : i32
        %dma_wait3A_721 = arith.constant 0 : i32
        %dma_wait3A_722 = tpu.memref_slice %arg6[%dma_wait3A_718, %dma_wait3A_719, %dma_wait3A_720, %dma_wait3A_721] : memref<2x4x128x64xf32, #tpu.memory_space<vmem>> -> memref<1x4x128x64xf32, #tpu.memory_space<vmem>>
        %dma_wait3A_723 = tpu.memref_squeeze %dma_wait3A_722 : memref<1x4x128x64xf32, #tpu.memory_space<vmem>> -> memref<4x128x64xf32, #tpu.memory_space<vmem>>
        %dma_wait3A_724 = arith.constant 0 : i32
        %dma_wait3A_725 = arith.constant 0 : i32
        %dma_wait3A_726 = tpu.memref_slice %arg4[%sub3A_717, %dma_wait3A_724, %dma_wait3A_725] : memref<25600x128x64xf32, #tpu.memory_space<hbm>> -> memref<4x128x64xf32, #tpu.memory_space<hbm>>
        %dma_wait3A_727 = arith.constant 0 : i32
        %dma_wait3A_728 = arith.constant 0 : i32
        %dma_wait3A_729 = tpu.memref_slice %arg4[%sub3A_717, %dma_wait3A_727, %dma_wait3A_728] : memref<25600x128x64xf32, #tpu.memory_space<hbm>> -> memref<4x128x64xf32, #tpu.memory_space<hbm>>
        %dma_wait3A_730 = arith.constant 0 : i32
        %dma_wait3A_731 = arith.constant 0 : i32
        %dma_wait3A_732 = arith.constant 0 : i32
        %dma_wait3A_733 = tpu.memref_slice %arg6[%dma_wait3A_718, %dma_wait3A_730, %dma_wait3A_731, %dma_wait3A_732] : memref<2x4x128x64xf32, #tpu.memory_space<vmem>> -> memref<1x4x128x64xf32, #tpu.memory_space<vmem>>
        %dma_wait3A_734 = tpu.memref_squeeze %dma_wait3A_733 : memref<1x4x128x64xf32, #tpu.memory_space<vmem>> -> memref<4x128x64xf32, #tpu.memory_space<vmem>>
        tpu.wait_dma2 semaphore(%arg10 : memref<!tpu.dma_semaphore, #tpu.memory_space<semaphore_mem>>) src(%dma_wait3A_734 : memref<4x128x64xf32, #tpu.memory_space<vmem>>) dst(%dma_wait3A_729 : memref<4x128x64xf32, #tpu.memory_space<hbm>>)
      } else {
      }
      %dma_start3A_420 = arith.constant 2 : i32
      %dma_start3A_421 = arith.constant 0 : i32
      %dma_start3A_422 = arith.constant 0 : i32
      %dma_start3A_423 = arith.constant 0 : i32
      %dma_start3A_424 = arith.constant 0 : i32
      %dma_start3A_425 = arith.constant 0 : i32
      %dma_start3A_426 = tpu.memref_slice %arg6[%dma_start3A_422, %dma_start3A_423, %dma_start3A_424, %dma_start3A_425] : memref<2x4x128x64xf32, #tpu.memory_space<vmem>> -> memref<1x1x128x64xf32, #tpu.memory_space<vmem>>
      %dma_start3A_427 = tpu.memref_squeeze %dma_start3A_426 : memref<1x1x128x64xf32, #tpu.memory_space<vmem>> -> memref<128x64xf32, #tpu.memory_space<vmem>>
      %dma_start3A_428 = arith.constant 0 : i32
      %dma_start3A_429 = tpu.memref_slice %arg5[%dma_start3A_420, %dma_start3A_421, %dma_start3A_428] : memref<4x4x128xi32, #tpu.memory_space<vmem>> -> memref<1x1x128xi32, #tpu.memory_space<vmem>>
      %dma_start3A_430 = tpu.memref_squeeze %dma_start3A_429 : memref<1x1x128xi32, #tpu.memory_space<vmem>> -> memref<128xi32, #tpu.memory_space<vmem>>
      %dma_start3A_431 = arith.constant 0 : i32
      %dma_start3A_432 = arith.constant 0 : i32
      %dma_start3A_433 = tpu.memref_slice %arg7[%dma_start3A_431, %dma_start3A_432] : memref<64x64xf32, #tpu.memory_space<vmem_shared>> -> memref<64x64xf32, #tpu.memory_space<vmem_shared>>
      tpu.enqueue_indirect_dma source(%dma_start3A_433 : memref<64x64xf32, #tpu.memory_space<vmem_shared>>) target(%dma_start3A_427 : memref<128x64xf32, #tpu.memory_space<vmem>>) offsets(%dma_start3A_430 : memref<128xi32, #tpu.memory_space<vmem>>) semaphore(%arg9 : memref<!tpu.dma_semaphore, #tpu.memory_space<semaphore_mem>>)
      %dma_start3A_434 = arith.constant 2 : i32
      %dma_start3A_435 = arith.constant 1 : i32
      %dma_start3A_436 = arith.constant 0 : i32
      %dma_start3A_437 = arith.constant 1 : i32
      %dma_start3A_438 = arith.constant 0 : i32
      %dma_start3A_439 = arith.constant 0 : i32
      %dma_start3A_440 = tpu.memref_slice %arg6[%dma_start3A_436, %dma_start3A_437, %dma_start3A_438, %dma_start3A_439] : memref<2x4x128x64xf32, #tpu.memory_space<vmem>> -> memref<1x1x128x64xf32, #tpu.memory_space<vmem>>
      %dma_start3A_441 = tpu.memref_squeeze %dma_start3A_440 : memref<1x1x128x64xf32, #tpu.memory_space<vmem>> -> memref<128x64xf32, #tpu.memory_space<vmem>>
      %dma_start3A_442 = arith.constant 0 : i32
      %dma_start3A_443 = tpu.memref_slice %arg5[%dma_start3A_434, %dma_start3A_435, %dma_start3A_442] : memref<4x4x128xi32, #tpu.memory_space<vmem>> -> memref<1x1x128xi32, #tpu.memory_space<vmem>>
      %dma_start3A_444 = tpu.memref_squeeze %dma_start3A_443 : memref<1x1x128xi32, #tpu.memory_space<vmem>> -> memref<128xi32, #tpu.memory_space<vmem>>
      %dma_start3A_445 = arith.constant 0 : i32
      %dma_start3A_446 = arith.constant 0 : i32
      %dma_start3A_447 = tpu.memref_slice %arg7[%dma_start3A_445, %dma_start3A_446] : memref<64x64xf32, #tpu.memory_space<vmem_shared>> -> memref<64x64xf32, #tpu.memory_space<vmem_shared>>
      tpu.enqueue_indirect_dma source(%dma_start3A_447 : memref<64x64xf32, #tpu.memory_space<vmem_shared>>) target(%dma_start3A_441 : memref<128x64xf32, #tpu.memory_space<vmem>>) offsets(%dma_start3A_444 : memref<128xi32, #tpu.memory_space<vmem>>) semaphore(%arg9 : memref<!tpu.dma_semaphore, #tpu.memory_space<semaphore_mem>>)
      %dma_start3A_448 = arith.constant 2 : i32
      %dma_start3A_449 = arith.constant 2 : i32
      %dma_start3A_450 = arith.constant 0 : i32
      %dma_start3A_451 = arith.constant 2 : i32
      %dma_start3A_452 = arith.constant 0 : i32
      %dma_start3A_453 = arith.constant 0 : i32
      %dma_start3A_454 = tpu.memref_slice %arg6[%dma_start3A_450, %dma_start3A_451, %dma_start3A_452, %dma_start3A_453] : memref<2x4x128x64xf32, #tpu.memory_space<vmem>> -> memref<1x1x128x64xf32, #tpu.memory_space<vmem>>
      %dma_start3A_455 = tpu.memref_squeeze %dma_start3A_454 : memref<1x1x128x64xf32, #tpu.memory_space<vmem>> -> memref<128x64xf32, #tpu.memory_space<vmem>>
      %dma_start3A_456 = arith.constant 0 : i32
      %dma_start3A_457 = tpu.memref_slice %arg5[%dma_start3A_448, %dma_start3A_449, %dma_start3A_456] : memref<4x4x128xi32, #tpu.memory_space<vmem>> -> memref<1x1x128xi32, #tpu.memory_space<vmem>>
      %dma_start3A_458 = tpu.memref_squeeze %dma_start3A_457 : memref<1x1x128xi32, #tpu.memory_space<vmem>> -> memref<128xi32, #tpu.memory_space<vmem>>
      %dma_start3A_459 = arith.constant 0 : i32
      %dma_start3A_460 = arith.constant 0 : i32
      %dma_start3A_461 = tpu.memref_slice %arg7[%dma_start3A_459, %dma_start3A_460] : memref<64x64xf32, #tpu.memory_space<vmem_shared>> -> memref<64x64xf32, #tpu.memory_space<vmem_shared>>
      tpu.enqueue_indirect_dma source(%dma_start3A_461 : memref<64x64xf32, #tpu.memory_space<vmem_shared>>) target(%dma_start3A_455 : memref<128x64xf32, #tpu.memory_space<vmem>>) offsets(%dma_start3A_458 : memref<128xi32, #tpu.memory_space<vmem>>) semaphore(%arg9 : memref<!tpu.dma_semaphore, #tpu.memory_space<semaphore_mem>>)
      %dma_start3A_462 = arith.constant 2 : i32
      %dma_start3A_463 = arith.constant 3 : i32
      %dma_start3A_464 = arith.constant 0 : i32
      %dma_start3A_465 = arith.constant 3 : i32
      %dma_start3A_466 = arith.constant 0 : i32
      %dma_start3A_467 = arith.constant 0 : i32
      %dma_start3A_468 = tpu.memref_slice %arg6[%dma_start3A_464, %dma_start3A_465, %dma_start3A_466, %dma_start3A_467] : memref<2x4x128x64xf32, #tpu.memory_space<vmem>> -> memref<1x1x128x64xf32, #tpu.memory_space<vmem>>
      %dma_start3A_469 = tpu.memref_squeeze %dma_start3A_468 : memref<1x1x128x64xf32, #tpu.memory_space<vmem>> -> memref<128x64xf32, #tpu.memory_space<vmem>>
      %dma_start3A_470 = arith.constant 0 : i32
      %dma_start3A_471 = tpu.memref_slice %arg5[%dma_start3A_462, %dma_start3A_463, %dma_start3A_470] : memref<4x4x128xi32, #tpu.memory_space<vmem>> -> memref<1x1x128xi32, #tpu.memory_space<vmem>>
      %dma_start3A_472 = tpu.memref_squeeze %dma_start3A_471 : memref<1x1x128xi32, #tpu.memory_space<vmem>> -> memref<128xi32, #tpu.memory_space<vmem>>
      %dma_start3A_473 = arith.constant 0 : i32
      %dma_start3A_474 = arith.constant 0 : i32
      %dma_start3A_475 = tpu.memref_slice %arg7[%dma_start3A_473, %dma_start3A_474] : memref<64x64xf32, #tpu.memory_space<vmem_shared>> -> memref<64x64xf32, #tpu.memory_space<vmem_shared>>
      tpu.enqueue_indirect_dma source(%dma_start3A_475 : memref<64x64xf32, #tpu.memory_space<vmem_shared>>) target(%dma_start3A_469 : memref<128x64xf32, #tpu.memory_space<vmem>>) offsets(%dma_start3A_472 : memref<128xi32, #tpu.memory_space<vmem>>) semaphore(%arg9 : memref<!tpu.dma_semaphore, #tpu.memory_space<semaphore_mem>>)
      %add3A_476 = arith.constant 2 : i32
      %add3A_477 = arith.addi %add3A_398, %add3A_476 : i32
      %lt3A_478 = arith.constant 200 : i32
      %lt3A_479 = arith.cmpi slt, %add3A_477, %lt3A_478 : i32
      %convert_element_type3A_480 = arith.extui %lt3A_479 : i1 to i32
      %cond3A_481 = arith.constant 0 : i32
      %cond3A_482 = arith.cmpi ne, %convert_element_type3A_480, %cond3A_481 : i32
      scf.if %cond3A_482 {
        %add3A_717 = arith.constant 8 : i32
        %add3A_718 = arith.addi %add3A_401, %add3A_717 : i32
        %dma_start3A_719 = arith.constant 0 : i32
        %dma_start3A_720 = arith.constant 0 : i32
        %dma_start3A_721 = arith.constant 0 : i32
        %dma_start3A_722 = tpu.memref_slice %arg5[%dma_start3A_719, %dma_start3A_720, %dma_start3A_721] : memref<4x4x128xi32, #tpu.memory_space<vmem>> -> memref<1x4x128xi32, #tpu.memory_space<vmem>>
        %dma_start3A_723 = tpu.memref_squeeze %dma_start3A_722 : memref<1x4x128xi32, #tpu.memory_space<vmem>> -> memref<4x128xi32, #tpu.memory_space<vmem>>
        %dma_start3A_724 = arith.constant 0 : i32
        %dma_start3A_725 = tpu.memref_slice %arg2[%add3A_718, %dma_start3A_724] : memref<25600x128xi32, #tpu.memory_space<hbm>> -> memref<4x128xi32, #tpu.memory_space<hbm>>
        %dma_start3A_726 = arith.constant 0 : i32
        %dma_start3A_727 = arith.constant 0 : i32
        %dma_start3A_728 = tpu.memref_slice %arg5[%dma_start3A_719, %dma_start3A_726, %dma_start3A_727] : memref<4x4x128xi32, #tpu.memory_space<vmem>> -> memref<1x4x128xi32, #tpu.memory_space<vmem>>
        %dma_start3A_729 = tpu.memref_squeeze %dma_start3A_728 : memref<1x4x128xi32, #tpu.memory_space<vmem>> -> memref<4x128xi32, #tpu.memory_space<vmem>>
        %dma_start3A_730 = arith.constant 0 : i32
        %dma_start3A_731 = tpu.memref_slice %arg2[%add3A_718, %dma_start3A_730] : memref<25600x128xi32, #tpu.memory_space<hbm>> -> memref<4x128xi32, #tpu.memory_space<hbm>>
        tpu.enqueue_dma source(%dma_start3A_731 : memref<4x128xi32, #tpu.memory_space<hbm>>) target(%dma_start3A_729 : memref<4x128xi32, #tpu.memory_space<vmem>>) target_semaphore(%arg8 : memref<!tpu.dma_semaphore, #tpu.memory_space<semaphore_mem>>)
      } else {
      }
      %dma_wait3A_483 = arith.constant 2 : i32
      %dma_wait3A_484 = arith.constant 0 : i32
      %dma_wait3A_485 = arith.constant 0 : i32
      %dma_wait3A_486 = arith.constant 0 : i32
      %dma_wait3A_487 = arith.constant 0 : i32
      %dma_wait3A_488 = arith.constant 0 : i32
      %dma_wait3A_489 = tpu.memref_slice %arg6[%dma_wait3A_485, %dma_wait3A_486, %dma_wait3A_487, %dma_wait3A_488] : memref<2x4x128x64xf32, #tpu.memory_space<vmem>> -> memref<1x1x128x64xf32, #tpu.memory_space<vmem>>
      %dma_wait3A_490 = tpu.memref_squeeze %dma_wait3A_489 : memref<1x1x128x64xf32, #tpu.memory_space<vmem>> -> memref<128x64xf32, #tpu.memory_space<vmem>>
      %dma_wait3A_491 = arith.constant 0 : i32
      %dma_wait3A_492 = tpu.memref_slice %arg5[%dma_wait3A_483, %dma_wait3A_484, %dma_wait3A_491] : memref<4x4x128xi32, #tpu.memory_space<vmem>> -> memref<1x1x128xi32, #tpu.memory_space<vmem>>
      %dma_wait3A_493 = tpu.memref_squeeze %dma_wait3A_492 : memref<1x1x128xi32, #tpu.memory_space<vmem>> -> memref<128xi32, #tpu.memory_space<vmem>>
      %dma_wait3A_494 = arith.constant 0 : i32
      %dma_wait3A_495 = arith.constant 0 : i32
      %dma_wait3A_496 = tpu.memref_slice %arg7[%dma_wait3A_494, %dma_wait3A_495] : memref<64x64xf32, #tpu.memory_space<vmem_shared>> -> memref<64x64xf32, #tpu.memory_space<vmem_shared>>
      tpu.wait_indirect_dma semaphore(%arg9 : memref<!tpu.dma_semaphore, #tpu.memory_space<semaphore_mem>>) src(%dma_wait3A_496 : memref<64x64xf32, #tpu.memory_space<vmem_shared>>) dst(%dma_wait3A_490 : memref<128x64xf32, #tpu.memory_space<vmem>>)
      %dma_wait3A_497 = arith.constant 2 : i32
      %dma_wait3A_498 = arith.constant 1 : i32
      %dma_wait3A_499 = arith.constant 0 : i32
      %dma_wait3A_500 = arith.constant 1 : i32
      %dma_wait3A_501 = arith.constant 0 : i32
      %dma_wait3A_502 = arith.constant 0 : i32
      %dma_wait3A_503 = tpu.memref_slice %arg6[%dma_wait3A_499, %dma_wait3A_500, %dma_wait3A_501, %dma_wait3A_502] : memref<2x4x128x64xf32, #tpu.memory_space<vmem>> -> memref<1x1x128x64xf32, #tpu.memory_space<vmem>>
      %dma_wait3A_504 = tpu.memref_squeeze %dma_wait3A_503 : memref<1x1x128x64xf32, #tpu.memory_space<vmem>> -> memref<128x64xf32, #tpu.memory_space<vmem>>
      %dma_wait3A_505 = arith.constant 0 : i32
      %dma_wait3A_506 = tpu.memref_slice %arg5[%dma_wait3A_497, %dma_wait3A_498, %dma_wait3A_505] : memref<4x4x128xi32, #tpu.memory_space<vmem>> -> memref<1x1x128xi32, #tpu.memory_space<vmem>>
      %dma_wait3A_507 = tpu.memref_squeeze %dma_wait3A_506 : memref<1x1x128xi32, #tpu.memory_space<vmem>> -> memref<128xi32, #tpu.memory_space<vmem>>
      %dma_wait3A_508 = arith.constant 0 : i32
      %dma_wait3A_509 = arith.constant 0 : i32
      %dma_wait3A_510 = tpu.memref_slice %arg7[%dma_wait3A_508, %dma_wait3A_509] : memref<64x64xf32, #tpu.memory_space<vmem_shared>> -> memref<64x64xf32, #tpu.memory_space<vmem_shared>>
      tpu.wait_indirect_dma semaphore(%arg9 : memref<!tpu.dma_semaphore, #tpu.memory_space<semaphore_mem>>) src(%dma_wait3A_510 : memref<64x64xf32, #tpu.memory_space<vmem_shared>>) dst(%dma_wait3A_504 : memref<128x64xf32, #tpu.memory_space<vmem>>)
      %dma_wait3A_511 = arith.constant 2 : i32
      %dma_wait3A_512 = arith.constant 2 : i32
      %dma_wait3A_513 = arith.constant 0 : i32
      %dma_wait3A_514 = arith.constant 2 : i32
      %dma_wait3A_515 = arith.constant 0 : i32
      %dma_wait3A_516 = arith.constant 0 : i32
      %dma_wait3A_517 = tpu.memref_slice %arg6[%dma_wait3A_513, %dma_wait3A_514, %dma_wait3A_515, %dma_wait3A_516] : memref<2x4x128x64xf32, #tpu.memory_space<vmem>> -> memref<1x1x128x64xf32, #tpu.memory_space<vmem>>
      %dma_wait3A_518 = tpu.memref_squeeze %dma_wait3A_517 : memref<1x1x128x64xf32, #tpu.memory_space<vmem>> -> memref<128x64xf32, #tpu.memory_space<vmem>>
      %dma_wait3A_519 = arith.constant 0 : i32
      %dma_wait3A_520 = tpu.memref_slice %arg5[%dma_wait3A_511, %dma_wait3A_512, %dma_wait3A_519] : memref<4x4x128xi32, #tpu.memory_space<vmem>> -> memref<1x1x128xi32, #tpu.memory_space<vmem>>
      %dma_wait3A_521 = tpu.memref_squeeze %dma_wait3A_520 : memref<1x1x128xi32, #tpu.memory_space<vmem>> -> memref<128xi32, #tpu.memory_space<vmem>>
      %dma_wait3A_522 = arith.constant 0 : i32
      %dma_wait3A_523 = arith.constant 0 : i32
      %dma_wait3A_524 = tpu.memref_slice %arg7[%dma_wait3A_522, %dma_wait3A_523] : memref<64x64xf32, #tpu.memory_space<vmem_shared>> -> memref<64x64xf32, #tpu.memory_space<vmem_shared>>
      tpu.wait_indirect_dma semaphore(%arg9 : memref<!tpu.dma_semaphore, #tpu.memory_space<semaphore_mem>>) src(%dma_wait3A_524 : memref<64x64xf32, #tpu.memory_space<vmem_shared>>) dst(%dma_wait3A_518 : memref<128x64xf32, #tpu.memory_space<vmem>>)
      %dma_wait3A_525 = arith.constant 2 : i32
      %dma_wait3A_526 = arith.constant 3 : i32
      %dma_wait3A_527 = arith.constant 0 : i32
      %dma_wait3A_528 = arith.constant 3 : i32
      %dma_wait3A_529 = arith.constant 0 : i32
      %dma_wait3A_530 = arith.constant 0 : i32
      %dma_wait3A_531 = tpu.memref_slice %arg6[%dma_wait3A_527, %dma_wait3A_528, %dma_wait3A_529, %dma_wait3A_530] : memref<2x4x128x64xf32, #tpu.memory_space<vmem>> -> memref<1x1x128x64xf32, #tpu.memory_space<vmem>>
      %dma_wait3A_532 = tpu.memref_squeeze %dma_wait3A_531 : memref<1x1x128x64xf32, #tpu.memory_space<vmem>> -> memref<128x64xf32, #tpu.memory_space<vmem>>
      %dma_wait3A_533 = arith.constant 0 : i32
      %dma_wait3A_534 = tpu.memref_slice %arg5[%dma_wait3A_525, %dma_wait3A_526, %dma_wait3A_533] : memref<4x4x128xi32, #tpu.memory_space<vmem>> -> memref<1x1x128xi32, #tpu.memory_space<vmem>>
      %dma_wait3A_535 = tpu.memref_squeeze %dma_wait3A_534 : memref<1x1x128xi32, #tpu.memory_space<vmem>> -> memref<128xi32, #tpu.memory_space<vmem>>
      %dma_wait3A_536 = arith.constant 0 : i32
      %dma_wait3A_537 = arith.constant 0 : i32
      %dma_wait3A_538 = tpu.memref_slice %arg7[%dma_wait3A_536, %dma_wait3A_537] : memref<64x64xf32, #tpu.memory_space<vmem_shared>> -> memref<64x64xf32, #tpu.memory_space<vmem_shared>>
      tpu.wait_indirect_dma semaphore(%arg9 : memref<!tpu.dma_semaphore, #tpu.memory_space<semaphore_mem>>) src(%dma_wait3A_538 : memref<64x64xf32, #tpu.memory_space<vmem_shared>>) dst(%dma_wait3A_532 : memref<128x64xf32, #tpu.memory_space<vmem>>)
      %dma_start3A_539 = arith.constant 0 : i32
      %dma_start3A_540 = arith.constant 0 : i32
      %dma_start3A_541 = arith.constant 0 : i32
      %dma_start3A_542 = arith.constant 0 : i32
      %dma_start3A_543 = tpu.memref_slice %arg6[%dma_start3A_539, %dma_start3A_540, %dma_start3A_541, %dma_start3A_542] : memref<2x4x128x64xf32, #tpu.memory_space<vmem>> -> memref<1x4x128x64xf32, #tpu.memory_space<vmem>>
      %dma_start3A_544 = tpu.memref_squeeze %dma_start3A_543 : memref<1x4x128x64xf32, #tpu.memory_space<vmem>> -> memref<4x128x64xf32, #tpu.memory_space<vmem>>
      %dma_start3A_545 = arith.constant 0 : i32
      %dma_start3A_546 = arith.constant 0 : i32
      %dma_start3A_547 = tpu.memref_slice %arg4[%add3A_401, %dma_start3A_545, %dma_start3A_546] : memref<25600x128x64xf32, #tpu.memory_space<hbm>> -> memref<4x128x64xf32, #tpu.memory_space<hbm>>
      %dma_start3A_548 = arith.constant 0 : i32
      %dma_start3A_549 = arith.constant 0 : i32
      %dma_start3A_550 = tpu.memref_slice %arg4[%add3A_401, %dma_start3A_548, %dma_start3A_549] : memref<25600x128x64xf32, #tpu.memory_space<hbm>> -> memref<4x128x64xf32, #tpu.memory_space<hbm>>
      %dma_start3A_551 = arith.constant 0 : i32
      %dma_start3A_552 = arith.constant 0 : i32
      %dma_start3A_553 = arith.constant 0 : i32
      %dma_start3A_554 = tpu.memref_slice %arg6[%dma_start3A_539, %dma_start3A_551, %dma_start3A_552, %dma_start3A_553] : memref<2x4x128x64xf32, #tpu.memory_space<vmem>> -> memref<1x4x128x64xf32, #tpu.memory_space<vmem>>
      %dma_start3A_555 = tpu.memref_squeeze %dma_start3A_554 : memref<1x4x128x64xf32, #tpu.memory_space<vmem>> -> memref<4x128x64xf32, #tpu.memory_space<vmem>>
      tpu.enqueue_dma source(%dma_start3A_555 : memref<4x128x64xf32, #tpu.memory_space<vmem>>) target(%dma_start3A_550 : memref<4x128x64xf32, #tpu.memory_space<hbm>>) target_semaphore(%arg10 : memref<!tpu.dma_semaphore, #tpu.memory_space<semaphore_mem>>)
      %mul3A_556 = arith.constant 4 : i32
      %mul3A_557 = arith.muli %scan3A_74, %mul3A_556 : i32
      %add3A_558 = arith.constant 3 : i32
      %add3A_559 = arith.addi %mul3A_557, %add3A_558 : i32
      %mul3A_560 = arith.constant 4 : i32
      %mul3A_561 = arith.muli %add3A_559, %mul3A_560 : i32
      %add3A_562 = arith.addi %mul3A_2, %mul3A_561 : i32
      %dma_wait3A_563 = arith.constant 3 : i32
      %dma_wait3A_564 = arith.constant 0 : i32
      %dma_wait3A_565 = arith.constant 0 : i32
      %dma_wait3A_566 = tpu.memref_slice %arg5[%dma_wait3A_563, %dma_wait3A_564, %dma_wait3A_565] : memref<4x4x128xi32, #tpu.memory_space<vmem>> -> memref<1x4x128xi32, #tpu.memory_space<vmem>>
      %dma_wait3A_567 = tpu.memref_squeeze %dma_wait3A_566 : memref<1x4x128xi32, #tpu.memory_space<vmem>> -> memref<4x128xi32, #tpu.memory_space<vmem>>
      %dma_wait3A_568 = arith.constant 0 : i32
      %dma_wait3A_569 = tpu.memref_slice %arg2[%add3A_562, %dma_wait3A_568] : memref<25600x128xi32, #tpu.memory_space<hbm>> -> memref<4x128xi32, #tpu.memory_space<hbm>>
      %dma_wait3A_570 = arith.constant 0 : i32
      %dma_wait3A_571 = arith.constant 0 : i32
      %dma_wait3A_572 = tpu.memref_slice %arg5[%dma_wait3A_563, %dma_wait3A_570, %dma_wait3A_571] : memref<4x4x128xi32, #tpu.memory_space<vmem>> -> memref<1x4x128xi32, #tpu.memory_space<vmem>>
      %dma_wait3A_573 = tpu.memref_squeeze %dma_wait3A_572 : memref<1x4x128xi32, #tpu.memory_space<vmem>> -> memref<4x128xi32, #tpu.memory_space<vmem>>
      %dma_wait3A_574 = arith.constant 0 : i32
      %dma_wait3A_575 = tpu.memref_slice %arg2[%add3A_562, %dma_wait3A_574] : memref<25600x128xi32, #tpu.memory_space<hbm>> -> memref<4x128xi32, #tpu.memory_space<hbm>>
      tpu.wait_dma2 semaphore(%arg8 : memref<!tpu.dma_semaphore, #tpu.memory_space<semaphore_mem>>) src(%dma_wait3A_575 : memref<4x128xi32, #tpu.memory_space<hbm>>) dst(%dma_wait3A_573 : memref<4x128xi32, #tpu.memory_space<vmem>>)
      %ge3A_576 = arith.constant 2 : i32
      %ge3A_577 = arith.cmpi sge, %add3A_559, %ge3A_576 : i32
      %convert_element_type3A_578 = arith.extui %ge3A_577 : i1 to i32
      %cond3A_579 = arith.constant 0 : i32
      %cond3A_580 = arith.cmpi ne, %convert_element_type3A_578, %cond3A_579 : i32
      scf.if %cond3A_580 {
        %sub3A = arith.constant 8 : i32
        %sub3A_717 = arith.subi %add3A_562, %sub3A : i32
        %dma_wait3A_718 = arith.constant 1 : i32
        %dma_wait3A_719 = arith.constant 0 : i32
        %dma_wait3A_720 = arith.constant 0 : i32
        %dma_wait3A_721 = arith.constant 0 : i32
        %dma_wait3A_722 = tpu.memref_slice %arg6[%dma_wait3A_718, %dma_wait3A_719, %dma_wait3A_720, %dma_wait3A_721] : memref<2x4x128x64xf32, #tpu.memory_space<vmem>> -> memref<1x4x128x64xf32, #tpu.memory_space<vmem>>
        %dma_wait3A_723 = tpu.memref_squeeze %dma_wait3A_722 : memref<1x4x128x64xf32, #tpu.memory_space<vmem>> -> memref<4x128x64xf32, #tpu.memory_space<vmem>>
        %dma_wait3A_724 = arith.constant 0 : i32
        %dma_wait3A_725 = arith.constant 0 : i32
        %dma_wait3A_726 = tpu.memref_slice %arg4[%sub3A_717, %dma_wait3A_724, %dma_wait3A_725] : memref<25600x128x64xf32, #tpu.memory_space<hbm>> -> memref<4x128x64xf32, #tpu.memory_space<hbm>>
        %dma_wait3A_727 = arith.constant 0 : i32
        %dma_wait3A_728 = arith.constant 0 : i32
        %dma_wait3A_729 = tpu.memref_slice %arg4[%sub3A_717, %dma_wait3A_727, %dma_wait3A_728] : memref<25600x128x64xf32, #tpu.memory_space<hbm>> -> memref<4x128x64xf32, #tpu.memory_space<hbm>>
        %dma_wait3A_730 = arith.constant 0 : i32
        %dma_wait3A_731 = arith.constant 0 : i32
        %dma_wait3A_732 = arith.constant 0 : i32
        %dma_wait3A_733 = tpu.memref_slice %arg6[%dma_wait3A_718, %dma_wait3A_730, %dma_wait3A_731, %dma_wait3A_732] : memref<2x4x128x64xf32, #tpu.memory_space<vmem>> -> memref<1x4x128x64xf32, #tpu.memory_space<vmem>>
        %dma_wait3A_734 = tpu.memref_squeeze %dma_wait3A_733 : memref<1x4x128x64xf32, #tpu.memory_space<vmem>> -> memref<4x128x64xf32, #tpu.memory_space<vmem>>
        tpu.wait_dma2 semaphore(%arg10 : memref<!tpu.dma_semaphore, #tpu.memory_space<semaphore_mem>>) src(%dma_wait3A_734 : memref<4x128x64xf32, #tpu.memory_space<vmem>>) dst(%dma_wait3A_729 : memref<4x128x64xf32, #tpu.memory_space<hbm>>)
      } else {
      }
      %dma_start3A_581 = arith.constant 3 : i32
      %dma_start3A_582 = arith.constant 0 : i32
      %dma_start3A_583 = arith.constant 1 : i32
      %dma_start3A_584 = arith.constant 0 : i32
      %dma_start3A_585 = arith.constant 0 : i32
      %dma_start3A_586 = arith.constant 0 : i32
      %dma_start3A_587 = tpu.memref_slice %arg6[%dma_start3A_583, %dma_start3A_584, %dma_start3A_585, %dma_start3A_586] : memref<2x4x128x64xf32, #tpu.memory_space<vmem>> -> memref<1x1x128x64xf32, #tpu.memory_space<vmem>>
      %dma_start3A_588 = tpu.memref_squeeze %dma_start3A_587 : memref<1x1x128x64xf32, #tpu.memory_space<vmem>> -> memref<128x64xf32, #tpu.memory_space<vmem>>
      %dma_start3A_589 = arith.constant 0 : i32
      %dma_start3A_590 = tpu.memref_slice %arg5[%dma_start3A_581, %dma_start3A_582, %dma_start3A_589] : memref<4x4x128xi32, #tpu.memory_space<vmem>> -> memref<1x1x128xi32, #tpu.memory_space<vmem>>
      %dma_start3A_591 = tpu.memref_squeeze %dma_start3A_590 : memref<1x1x128xi32, #tpu.memory_space<vmem>> -> memref<128xi32, #tpu.memory_space<vmem>>
      %dma_start3A_592 = arith.constant 0 : i32
      %dma_start3A_593 = arith.constant 0 : i32
      %dma_start3A_594 = tpu.memref_slice %arg7[%dma_start3A_592, %dma_start3A_593] : memref<64x64xf32, #tpu.memory_space<vmem_shared>> -> memref<64x64xf32, #tpu.memory_space<vmem_shared>>
      tpu.enqueue_indirect_dma source(%dma_start3A_594 : memref<64x64xf32, #tpu.memory_space<vmem_shared>>) target(%dma_start3A_588 : memref<128x64xf32, #tpu.memory_space<vmem>>) offsets(%dma_start3A_591 : memref<128xi32, #tpu.memory_space<vmem>>) semaphore(%arg9 : memref<!tpu.dma_semaphore, #tpu.memory_space<semaphore_mem>>)
      %dma_start3A_595 = arith.constant 3 : i32
      %dma_start3A_596 = arith.constant 1 : i32
      %dma_start3A_597 = arith.constant 1 : i32
      %dma_start3A_598 = arith.constant 1 : i32
      %dma_start3A_599 = arith.constant 0 : i32
      %dma_start3A_600 = arith.constant 0 : i32
      %dma_start3A_601 = tpu.memref_slice %arg6[%dma_start3A_597, %dma_start3A_598, %dma_start3A_599, %dma_start3A_600] : memref<2x4x128x64xf32, #tpu.memory_space<vmem>> -> memref<1x1x128x64xf32, #tpu.memory_space<vmem>>
      %dma_start3A_602 = tpu.memref_squeeze %dma_start3A_601 : memref<1x1x128x64xf32, #tpu.memory_space<vmem>> -> memref<128x64xf32, #tpu.memory_space<vmem>>
      %dma_start3A_603 = arith.constant 0 : i32
      %dma_start3A_604 = tpu.memref_slice %arg5[%dma_start3A_595, %dma_start3A_596, %dma_start3A_603] : memref<4x4x128xi32, #tpu.memory_space<vmem>> -> memref<1x1x128xi32, #tpu.memory_space<vmem>>
      %dma_start3A_605 = tpu.memref_squeeze %dma_start3A_604 : memref<1x1x128xi32, #tpu.memory_space<vmem>> -> memref<128xi32, #tpu.memory_space<vmem>>
      %dma_start3A_606 = arith.constant 0 : i32
      %dma_start3A_607 = arith.constant 0 : i32
      %dma_start3A_608 = tpu.memref_slice %arg7[%dma_start3A_606, %dma_start3A_607] : memref<64x64xf32, #tpu.memory_space<vmem_shared>> -> memref<64x64xf32, #tpu.memory_space<vmem_shared>>
      tpu.enqueue_indirect_dma source(%dma_start3A_608 : memref<64x64xf32, #tpu.memory_space<vmem_shared>>) target(%dma_start3A_602 : memref<128x64xf32, #tpu.memory_space<vmem>>) offsets(%dma_start3A_605 : memref<128xi32, #tpu.memory_space<vmem>>) semaphore(%arg9 : memref<!tpu.dma_semaphore, #tpu.memory_space<semaphore_mem>>)
      %dma_start3A_609 = arith.constant 3 : i32
      %dma_start3A_610 = arith.constant 2 : i32
      %dma_start3A_611 = arith.constant 1 : i32
      %dma_start3A_612 = arith.constant 2 : i32
      %dma_start3A_613 = arith.constant 0 : i32
      %dma_start3A_614 = arith.constant 0 : i32
      %dma_start3A_615 = tpu.memref_slice %arg6[%dma_start3A_611, %dma_start3A_612, %dma_start3A_613, %dma_start3A_614] : memref<2x4x128x64xf32, #tpu.memory_space<vmem>> -> memref<1x1x128x64xf32, #tpu.memory_space<vmem>>
      %dma_start3A_616 = tpu.memref_squeeze %dma_start3A_615 : memref<1x1x128x64xf32, #tpu.memory_space<vmem>> -> memref<128x64xf32, #tpu.memory_space<vmem>>
      %dma_start3A_617 = arith.constant 0 : i32
      %dma_start3A_618 = tpu.memref_slice %arg5[%dma_start3A_609, %dma_start3A_610, %dma_start3A_617] : memref<4x4x128xi32, #tpu.memory_space<vmem>> -> memref<1x1x128xi32, #tpu.memory_space<vmem>>
      %dma_start3A_619 = tpu.memref_squeeze %dma_start3A_618 : memref<1x1x128xi32, #tpu.memory_space<vmem>> -> memref<128xi32, #tpu.memory_space<vmem>>
      %dma_start3A_620 = arith.constant 0 : i32
      %dma_start3A_621 = arith.constant 0 : i32
      %dma_start3A_622 = tpu.memref_slice %arg7[%dma_start3A_620, %dma_start3A_621] : memref<64x64xf32, #tpu.memory_space<vmem_shared>> -> memref<64x64xf32, #tpu.memory_space<vmem_shared>>
      tpu.enqueue_indirect_dma source(%dma_start3A_622 : memref<64x64xf32, #tpu.memory_space<vmem_shared>>) target(%dma_start3A_616 : memref<128x64xf32, #tpu.memory_space<vmem>>) offsets(%dma_start3A_619 : memref<128xi32, #tpu.memory_space<vmem>>) semaphore(%arg9 : memref<!tpu.dma_semaphore, #tpu.memory_space<semaphore_mem>>)
      %dma_start3A_623 = arith.constant 3 : i32
      %dma_start3A_624 = arith.constant 3 : i32
      %dma_start3A_625 = arith.constant 1 : i32
      %dma_start3A_626 = arith.constant 3 : i32
      %dma_start3A_627 = arith.constant 0 : i32
      %dma_start3A_628 = arith.constant 0 : i32
      %dma_start3A_629 = tpu.memref_slice %arg6[%dma_start3A_625, %dma_start3A_626, %dma_start3A_627, %dma_start3A_628] : memref<2x4x128x64xf32, #tpu.memory_space<vmem>> -> memref<1x1x128x64xf32, #tpu.memory_space<vmem>>
      %dma_start3A_630 = tpu.memref_squeeze %dma_start3A_629 : memref<1x1x128x64xf32, #tpu.memory_space<vmem>> -> memref<128x64xf32, #tpu.memory_space<vmem>>
      %dma_start3A_631 = arith.constant 0 : i32
      %dma_start3A_632 = tpu.memref_slice %arg5[%dma_start3A_623, %dma_start3A_624, %dma_start3A_631] : memref<4x4x128xi32, #tpu.memory_space<vmem>> -> memref<1x1x128xi32, #tpu.memory_space<vmem>>
      %dma_start3A_633 = tpu.memref_squeeze %dma_start3A_632 : memref<1x1x128xi32, #tpu.memory_space<vmem>> -> memref<128xi32, #tpu.memory_space<vmem>>
      %dma_start3A_634 = arith.constant 0 : i32
      %dma_start3A_635 = arith.constant 0 : i32
      %dma_start3A_636 = tpu.memref_slice %arg7[%dma_start3A_634, %dma_start3A_635] : memref<64x64xf32, #tpu.memory_space<vmem_shared>> -> memref<64x64xf32, #tpu.memory_space<vmem_shared>>
      tpu.enqueue_indirect_dma source(%dma_start3A_636 : memref<64x64xf32, #tpu.memory_space<vmem_shared>>) target(%dma_start3A_630 : memref<128x64xf32, #tpu.memory_space<vmem>>) offsets(%dma_start3A_633 : memref<128xi32, #tpu.memory_space<vmem>>) semaphore(%arg9 : memref<!tpu.dma_semaphore, #tpu.memory_space<semaphore_mem>>)
      %add3A_637 = arith.constant 2 : i32
      %add3A_638 = arith.addi %add3A_559, %add3A_637 : i32
      %lt3A_639 = arith.constant 200 : i32
      %lt3A_640 = arith.cmpi slt, %add3A_638, %lt3A_639 : i32
      %convert_element_type3A_641 = arith.extui %lt3A_640 : i1 to i32
      %cond3A_642 = arith.constant 0 : i32
      %cond3A_643 = arith.cmpi ne, %convert_element_type3A_641, %cond3A_642 : i32
      scf.if %cond3A_643 {
        %add3A_717 = arith.constant 8 : i32
        %add3A_718 = arith.addi %add3A_562, %add3A_717 : i32
        %dma_start3A_719 = arith.constant 1 : i32
        %dma_start3A_720 = arith.constant 0 : i32
        %dma_start3A_721 = arith.constant 0 : i32
        %dma_start3A_722 = tpu.memref_slice %arg5[%dma_start3A_719, %dma_start3A_720, %dma_start3A_721] : memref<4x4x128xi32, #tpu.memory_space<vmem>> -> memref<1x4x128xi32, #tpu.memory_space<vmem>>
        %dma_start3A_723 = tpu.memref_squeeze %dma_start3A_722 : memref<1x4x128xi32, #tpu.memory_space<vmem>> -> memref<4x128xi32, #tpu.memory_space<vmem>>
        %dma_start3A_724 = arith.constant 0 : i32
        %dma_start3A_725 = tpu.memref_slice %arg2[%add3A_718, %dma_start3A_724] : memref<25600x128xi32, #tpu.memory_space<hbm>> -> memref<4x128xi32, #tpu.memory_space<hbm>>
        %dma_start3A_726 = arith.constant 0 : i32
        %dma_start3A_727 = arith.constant 0 : i32
        %dma_start3A_728 = tpu.memref_slice %arg5[%dma_start3A_719, %dma_start3A_726, %dma_start3A_727] : memref<4x4x128xi32, #tpu.memory_space<vmem>> -> memref<1x4x128xi32, #tpu.memory_space<vmem>>
        %dma_start3A_729 = tpu.memref_squeeze %dma_start3A_728 : memref<1x4x128xi32, #tpu.memory_space<vmem>> -> memref<4x128xi32, #tpu.memory_space<vmem>>
        %dma_start3A_730 = arith.constant 0 : i32
        %dma_start3A_731 = tpu.memref_slice %arg2[%add3A_718, %dma_start3A_730] : memref<25600x128xi32, #tpu.memory_space<hbm>> -> memref<4x128xi32, #tpu.memory_space<hbm>>
        tpu.enqueue_dma source(%dma_start3A_731 : memref<4x128xi32, #tpu.memory_space<hbm>>) target(%dma_start3A_729 : memref<4x128xi32, #tpu.memory_space<vmem>>) target_semaphore(%arg8 : memref<!tpu.dma_semaphore, #tpu.memory_space<semaphore_mem>>)
      } else {
      }
      %dma_wait3A_644 = arith.constant 3 : i32
      %dma_wait3A_645 = arith.constant 0 : i32
      %dma_wait3A_646 = arith.constant 1 : i32
      %dma_wait3A_647 = arith.constant 0 : i32
      %dma_wait3A_648 = arith.constant 0 : i32
      %dma_wait3A_649 = arith.constant 0 : i32
      %dma_wait3A_650 = tpu.memref_slice %arg6[%dma_wait3A_646, %dma_wait3A_647, %dma_wait3A_648, %dma_wait3A_649] : memref<2x4x128x64xf32, #tpu.memory_space<vmem>> -> memref<1x1x128x64xf32, #tpu.memory_space<vmem>>
      %dma_wait3A_651 = tpu.memref_squeeze %dma_wait3A_650 : memref<1x1x128x64xf32, #tpu.memory_space<vmem>> -> memref<128x64xf32, #tpu.memory_space<vmem>>
      %dma_wait3A_652 = arith.constant 0 : i32
      %dma_wait3A_653 = tpu.memref_slice %arg5[%dma_wait3A_644, %dma_wait3A_645, %dma_wait3A_652] : memref<4x4x128xi32, #tpu.memory_space<vmem>> -> memref<1x1x128xi32, #tpu.memory_space<vmem>>
      %dma_wait3A_654 = tpu.memref_squeeze %dma_wait3A_653 : memref<1x1x128xi32, #tpu.memory_space<vmem>> -> memref<128xi32, #tpu.memory_space<vmem>>
      %dma_wait3A_655 = arith.constant 0 : i32
      %dma_wait3A_656 = arith.constant 0 : i32
      %dma_wait3A_657 = tpu.memref_slice %arg7[%dma_wait3A_655, %dma_wait3A_656] : memref<64x64xf32, #tpu.memory_space<vmem_shared>> -> memref<64x64xf32, #tpu.memory_space<vmem_shared>>
      tpu.wait_indirect_dma semaphore(%arg9 : memref<!tpu.dma_semaphore, #tpu.memory_space<semaphore_mem>>) src(%dma_wait3A_657 : memref<64x64xf32, #tpu.memory_space<vmem_shared>>) dst(%dma_wait3A_651 : memref<128x64xf32, #tpu.memory_space<vmem>>)
      %dma_wait3A_658 = arith.constant 3 : i32
      %dma_wait3A_659 = arith.constant 1 : i32
      %dma_wait3A_660 = arith.constant 1 : i32
      %dma_wait3A_661 = arith.constant 1 : i32
      %dma_wait3A_662 = arith.constant 0 : i32
      %dma_wait3A_663 = arith.constant 0 : i32
      %dma_wait3A_664 = tpu.memref_slice %arg6[%dma_wait3A_660, %dma_wait3A_661, %dma_wait3A_662, %dma_wait3A_663] : memref<2x4x128x64xf32, #tpu.memory_space<vmem>> -> memref<1x1x128x64xf32, #tpu.memory_space<vmem>>
      %dma_wait3A_665 = tpu.memref_squeeze %dma_wait3A_664 : memref<1x1x128x64xf32, #tpu.memory_space<vmem>> -> memref<128x64xf32, #tpu.memory_space<vmem>>
      %dma_wait3A_666 = arith.constant 0 : i32
      %dma_wait3A_667 = tpu.memref_slice %arg5[%dma_wait3A_658, %dma_wait3A_659, %dma_wait3A_666] : memref<4x4x128xi32, #tpu.memory_space<vmem>> -> memref<1x1x128xi32, #tpu.memory_space<vmem>>
      %dma_wait3A_668 = tpu.memref_squeeze %dma_wait3A_667 : memref<1x1x128xi32, #tpu.memory_space<vmem>> -> memref<128xi32, #tpu.memory_space<vmem>>
      %dma_wait3A_669 = arith.constant 0 : i32
      %dma_wait3A_670 = arith.constant 0 : i32
      %dma_wait3A_671 = tpu.memref_slice %arg7[%dma_wait3A_669, %dma_wait3A_670] : memref<64x64xf32, #tpu.memory_space<vmem_shared>> -> memref<64x64xf32, #tpu.memory_space<vmem_shared>>
      tpu.wait_indirect_dma semaphore(%arg9 : memref<!tpu.dma_semaphore, #tpu.memory_space<semaphore_mem>>) src(%dma_wait3A_671 : memref<64x64xf32, #tpu.memory_space<vmem_shared>>) dst(%dma_wait3A_665 : memref<128x64xf32, #tpu.memory_space<vmem>>)
      %dma_wait3A_672 = arith.constant 3 : i32
      %dma_wait3A_673 = arith.constant 2 : i32
      %dma_wait3A_674 = arith.constant 1 : i32
      %dma_wait3A_675 = arith.constant 2 : i32
      %dma_wait3A_676 = arith.constant 0 : i32
      %dma_wait3A_677 = arith.constant 0 : i32
      %dma_wait3A_678 = tpu.memref_slice %arg6[%dma_wait3A_674, %dma_wait3A_675, %dma_wait3A_676, %dma_wait3A_677] : memref<2x4x128x64xf32, #tpu.memory_space<vmem>> -> memref<1x1x128x64xf32, #tpu.memory_space<vmem>>
      %dma_wait3A_679 = tpu.memref_squeeze %dma_wait3A_678 : memref<1x1x128x64xf32, #tpu.memory_space<vmem>> -> memref<128x64xf32, #tpu.memory_space<vmem>>
      %dma_wait3A_680 = arith.constant 0 : i32
      %dma_wait3A_681 = tpu.memref_slice %arg5[%dma_wait3A_672, %dma_wait3A_673, %dma_wait3A_680] : memref<4x4x128xi32, #tpu.memory_space<vmem>> -> memref<1x1x128xi32, #tpu.memory_space<vmem>>
      %dma_wait3A_682 = tpu.memref_squeeze %dma_wait3A_681 : memref<1x1x128xi32, #tpu.memory_space<vmem>> -> memref<128xi32, #tpu.memory_space<vmem>>
      %dma_wait3A_683 = arith.constant 0 : i32
      %dma_wait3A_684 = arith.constant 0 : i32
      %dma_wait3A_685 = tpu.memref_slice %arg7[%dma_wait3A_683, %dma_wait3A_684] : memref<64x64xf32, #tpu.memory_space<vmem_shared>> -> memref<64x64xf32, #tpu.memory_space<vmem_shared>>
      tpu.wait_indirect_dma semaphore(%arg9 : memref<!tpu.dma_semaphore, #tpu.memory_space<semaphore_mem>>) src(%dma_wait3A_685 : memref<64x64xf32, #tpu.memory_space<vmem_shared>>) dst(%dma_wait3A_679 : memref<128x64xf32, #tpu.memory_space<vmem>>)
      %dma_wait3A_686 = arith.constant 3 : i32
      %dma_wait3A_687 = arith.constant 3 : i32
      %dma_wait3A_688 = arith.constant 1 : i32
      %dma_wait3A_689 = arith.constant 3 : i32
      %dma_wait3A_690 = arith.constant 0 : i32
      %dma_wait3A_691 = arith.constant 0 : i32
      %dma_wait3A_692 = tpu.memref_slice %arg6[%dma_wait3A_688, %dma_wait3A_689, %dma_wait3A_690, %dma_wait3A_691] : memref<2x4x128x64xf32, #tpu.memory_space<vmem>> -> memref<1x1x128x64xf32, #tpu.memory_space<vmem>>
      %dma_wait3A_693 = tpu.memref_squeeze %dma_wait3A_692 : memref<1x1x128x64xf32, #tpu.memory_space<vmem>> -> memref<128x64xf32, #tpu.memory_space<vmem>>
      %dma_wait3A_694 = arith.constant 0 : i32
      %dma_wait3A_695 = tpu.memref_slice %arg5[%dma_wait3A_686, %dma_wait3A_687, %dma_wait3A_694] : memref<4x4x128xi32, #tpu.memory_space<vmem>> -> memref<1x1x128xi32, #tpu.memory_space<vmem>>
      %dma_wait3A_696 = tpu.memref_squeeze %dma_wait3A_695 : memref<1x1x128xi32, #tpu.memory_space<vmem>> -> memref<128xi32, #tpu.memory_space<vmem>>
      %dma_wait3A_697 = arith.constant 0 : i32
      %dma_wait3A_698 = arith.constant 0 : i32
      %dma_wait3A_699 = tpu.memref_slice %arg7[%dma_wait3A_697, %dma_wait3A_698] : memref<64x64xf32, #tpu.memory_space<vmem_shared>> -> memref<64x64xf32, #tpu.memory_space<vmem_shared>>
      tpu.wait_indirect_dma semaphore(%arg9 : memref<!tpu.dma_semaphore, #tpu.memory_space<semaphore_mem>>) src(%dma_wait3A_699 : memref<64x64xf32, #tpu.memory_space<vmem_shared>>) dst(%dma_wait3A_693 : memref<128x64xf32, #tpu.memory_space<vmem>>)
      %dma_start3A_700 = arith.constant 1 : i32
      %dma_start3A_701 = arith.constant 0 : i32
      %dma_start3A_702 = arith.constant 0 : i32
      %dma_start3A_703 = arith.constant 0 : i32
      %dma_start3A_704 = tpu.memref_slice %arg6[%dma_start3A_700, %dma_start3A_701, %dma_start3A_702, %dma_start3A_703] : memref<2x4x128x64xf32, #tpu.memory_space<vmem>> -> memref<1x4x128x64xf32, #tpu.memory_space<vmem>>
      %dma_start3A_705 = tpu.memref_squeeze %dma_start3A_704 : memref<1x4x128x64xf32, #tpu.memory_space<vmem>> -> memref<4x128x64xf32, #tpu.memory_space<vmem>>
      %dma_start3A_706 = arith.constant 0 : i32
      %dma_start3A_707 = arith.constant 0 : i32
      %dma_start3A_708 = tpu.memref_slice %arg4[%add3A_562, %dma_start3A_706, %dma_start3A_707] : memref<25600x128x64xf32, #tpu.memory_space<hbm>> -> memref<4x128x64xf32, #tpu.memory_space<hbm>>
      %dma_start3A_709 = arith.constant 0 : i32
      %dma_start3A_710 = arith.constant 0 : i32
      %dma_start3A_711 = tpu.memref_slice %arg4[%add3A_562, %dma_start3A_709, %dma_start3A_710] : memref<25600x128x64xf32, #tpu.memory_space<hbm>> -> memref<4x128x64xf32, #tpu.memory_space<hbm>>
      %dma_start3A_712 = arith.constant 0 : i32
      %dma_start3A_713 = arith.constant 0 : i32
      %dma_start3A_714 = arith.constant 0 : i32
      %dma_start3A_715 = tpu.memref_slice %arg6[%dma_start3A_700, %dma_start3A_712, %dma_start3A_713, %dma_start3A_714] : memref<2x4x128x64xf32, #tpu.memory_space<vmem>> -> memref<1x4x128x64xf32, #tpu.memory_space<vmem>>
      %dma_start3A_716 = tpu.memref_squeeze %dma_start3A_715 : memref<1x4x128x64xf32, #tpu.memory_space<vmem>> -> memref<4x128x64xf32, #tpu.memory_space<vmem>>
      tpu.enqueue_dma source(%dma_start3A_716 : memref<4x128x64xf32, #tpu.memory_space<vmem>>) target(%dma_start3A_711 : memref<4x128x64xf32, #tpu.memory_space<hbm>>) target_semaphore(%arg10 : memref<!tpu.dma_semaphore, #tpu.memory_space<semaphore_mem>>)
    }
    %scan3A_36 = arith.constant 50 : i32
    %add3A_37 = arith.constant 792 : i32
    %add3A_38 = arith.addi %mul3A_2, %add3A_37 : i32
    %dma_wait3A = arith.constant 0 : i32
    %dma_wait3A_39 = arith.constant 0 : i32
    %dma_wait3A_40 = arith.constant 0 : i32
    %dma_wait3A_41 = arith.constant 0 : i32
    %dma_wait3A_42 = tpu.memref_slice %arg6[%dma_wait3A, %dma_wait3A_39, %dma_wait3A_40, %dma_wait3A_41] : memref<2x4x128x64xf32, #tpu.memory_space<vmem>> -> memref<1x4x128x64xf32, #tpu.memory_space<vmem>>
    %dma_wait3A_43 = tpu.memref_squeeze %dma_wait3A_42 : memref<1x4x128x64xf32, #tpu.memory_space<vmem>> -> memref<4x128x64xf32, #tpu.memory_space<vmem>>
    %dma_wait3A_44 = arith.constant 0 : i32
    %dma_wait3A_45 = arith.constant 0 : i32
    %dma_wait3A_46 = tpu.memref_slice %arg4[%add3A_38, %dma_wait3A_44, %dma_wait3A_45] : memref<25600x128x64xf32, #tpu.memory_space<hbm>> -> memref<4x128x64xf32, #tpu.memory_space<hbm>>
    %dma_wait3A_47 = arith.constant 0 : i32
    %dma_wait3A_48 = arith.constant 0 : i32
    %dma_wait3A_49 = tpu.memref_slice %arg4[%add3A_38, %dma_wait3A_47, %dma_wait3A_48] : memref<25600x128x64xf32, #tpu.memory_space<hbm>> -> memref<4x128x64xf32, #tpu.memory_space<hbm>>
    %dma_wait3A_50 = arith.constant 0 : i32
    %dma_wait3A_51 = arith.constant 0 : i32
    %dma_wait3A_52 = arith.constant 0 : i32
    %dma_wait3A_53 = tpu.memref_slice %arg6[%dma_wait3A, %dma_wait3A_50, %dma_wait3A_51, %dma_wait3A_52] : memref<2x4x128x64xf32, #tpu.memory_space<vmem>> -> memref<1x4x128x64xf32, #tpu.memory_space<vmem>>
    %dma_wait3A_54 = tpu.memref_squeeze %dma_wait3A_53 : memref<1x4x128x64xf32, #tpu.memory_space<vmem>> -> memref<4x128x64xf32, #tpu.memory_space<vmem>>
    tpu.wait_dma2 semaphore(%arg10 : memref<!tpu.dma_semaphore, #tpu.memory_space<semaphore_mem>>) src(%dma_wait3A_54 : memref<4x128x64xf32, #tpu.memory_space<vmem>>) dst(%dma_wait3A_49 : memref<4x128x64xf32, #tpu.memory_space<hbm>>)
    %add3A_55 = arith.constant 796 : i32
    %add3A_56 = arith.addi %mul3A_2, %add3A_55 : i32
    %dma_wait3A_57 = arith.constant 1 : i32
    %dma_wait3A_58 = arith.constant 0 : i32
    %dma_wait3A_59 = arith.constant 0 : i32
    %dma_wait3A_60 = arith.constant 0 : i32
    %dma_wait3A_61 = tpu.memref_slice %arg6[%dma_wait3A_57, %dma_wait3A_58, %dma_wait3A_59, %dma_wait3A_60] : memref<2x4x128x64xf32, #tpu.memory_space<vmem>> -> memref<1x4x128x64xf32, #tpu.memory_space<vmem>>
    %dma_wait3A_62 = tpu.memref_squeeze %dma_wait3A_61 : memref<1x4x128x64xf32, #tpu.memory_space<vmem>> -> memref<4x128x64xf32, #tpu.memory_space<vmem>>
    %dma_wait3A_63 = arith.constant 0 : i32
    %dma_wait3A_64 = arith.constant 0 : i32
    %dma_wait3A_65 = tpu.memref_slice %arg4[%add3A_56, %dma_wait3A_63, %dma_wait3A_64] : memref<25600x128x64xf32, #tpu.memory_space<hbm>> -> memref<4x128x64xf32, #tpu.memory_space<hbm>>
    %dma_wait3A_66 = arith.constant 0 : i32
    %dma_wait3A_67 = arith.constant 0 : i32
    %dma_wait3A_68 = tpu.memref_slice %arg4[%add3A_56, %dma_wait3A_66, %dma_wait3A_67] : memref<25600x128x64xf32, #tpu.memory_space<hbm>> -> memref<4x128x64xf32, #tpu.memory_space<hbm>>
    %dma_wait3A_69 = arith.constant 0 : i32
    %dma_wait3A_70 = arith.constant 0 : i32
    %dma_wait3A_71 = arith.constant 0 : i32
    %dma_wait3A_72 = tpu.memref_slice %arg6[%dma_wait3A_57, %dma_wait3A_69, %dma_wait3A_70, %dma_wait3A_71] : memref<2x4x128x64xf32, #tpu.memory_space<vmem>> -> memref<1x4x128x64xf32, #tpu.memory_space<vmem>>
    %dma_wait3A_73 = tpu.memref_squeeze %dma_wait3A_72 : memref<1x4x128x64xf32, #tpu.memory_space<vmem>> -> memref<4x128x64xf32, #tpu.memory_space<vmem>>
    tpu.wait_dma2 semaphore(%arg10 : memref<!tpu.dma_semaphore, #tpu.memory_space<semaphore_mem>>) src(%dma_wait3A_73 : memref<4x128x64xf32, #tpu.memory_space<vmem>>) dst(%dma_wait3A_68 : memref<4x128x64xf32, #tpu.memory_space<hbm>>)
    return
  }
}

</mosaic_0001>

<sc_bundles>
// kernel: kernel.3.cloned.1.call-start
scs
__scs_entry_jumppad:
0x0: {  	(pc) =	sbr.rel $0x88, $3  }
0x1: {  	(tag) =	ssettag $0x0;
	lr =	simm.s32 $0x1  }
0x2: {  	[smem:$0x3F9F] =	sst lr;
	_ =	strace $0xD0000000  }
0x3: {  	_ = 	snop  }
0x4: {  	_ = 	snop  }
0x5: {  	_ = 	snop  }
0x6: {  	_ = 	snop  }
0x7: {  	_ = 	snop  }
__scs_overlays_trampoline_lowered:
0x8: {  	[smem:$0x3FAE] =	sst s0  }
0x9: {  	[smem:$0x3FAF] =	sst s1  }
0xa: {  	[smem:$0x3FB0] =	sst s2  }
0xb: {  	[smem:$0x3FB1] =	sst s3  }
0xc: {  	[smem:$0x3FB2] =	sst s4  }
0xd: {  	[smem:$0x3FB3] =	sst s5  }
0xe: {  	[smem:$0x3FB4] =	sst s6  }
0xf: {  	[smem:$0x3FB5] =	sst s7  }
0x10: {  	[smem:$0x3FB6] =	sst s8  }
0x11: {  	[smem:$0x3FB7] =	sst s9;
	s0 =	simm.s32 @!p0 $0x0  }
0x12: {  	s1 =	sld [smem:$0x3F9D];
	s0 =	simm.s32 @p0 $0x1  }
0x13: {  	[smem:$0x3FB8] =	sst s0;
	s0 =	simm.s32 @!p1 $0x0  }
0x14: {  	s2 =	sld [smem:$0x3F9C];
	s0 =	simm.s32 @p1 $0x1  }
0x15: {  	[smem:$0x3FB9] =	sst s0;
	s0 =	simm.s32 @!p2 $0x0  }
0x16: {  	s3 =	sld [smem:$0x3FDB];
	s0 =	simm.s32 @p2 $0x1  }
0x17: {  	s4 =	simm.s32 $0x1BF5;
	[smem:$0x3FBB] =	sst s0  }
0x18: {  	s0 =	sld [smem:$0x3F9E];
	_ =	swait.ge [sflag:s4], $0x0  }
0x19: {  	s7 =	sld [smem:$0x3F9F]  }
0x1a: {  	s8 =	sadd.s32 $0xFFFFE003, lr  }
0x1b: {  	s9 =	sadd.s32 $0xFFFFFEF7, lr;
	s5 =	simm.s32 $0xFFFFFFFF;
	p2 =	slt.u32 s8, $0xFFFFF086  }
0x1c: {  	p1 =	slt.u32 s9, $0xF7A;
	s5 =	simm.s32 @!p2 $0x0  }
0x1d: {  	s5 =	simm.s32 @p1 $0x1;
	p0 =	seq.s32 s7, s2  }
0x1e: {  	s7 =	smul.u32 @!p0 $0xF7A, s2;
	p2 =	seq.s32 @!p0 s5, $0x0  }
0x1f: {  	s9 =	smul.u32 $0xF7A, s1;
	s8 =	simm.s32 @!p0 $0x1BF5;
	p2 =	por !p2, p0  }
0x20: {  	[sflag:s8] =	ssyncset.s32 @!p0 $0xFFFFF086;
	s6 =	sadd.s32 @!p0 s3, s7;
	s7 =	simm.s32 @!p0 $0x108  }
0x21: {  	s3 =	sadd.s32 s3, s9;
	s6 =	sadd.s32 @!p0 $0x88, s6;
	s7 =	simm.s32 @p2 $0x1082  }
0x22: {  	[simem:s7], [sflag:s8] =	dma.local @!p0 [hbm:s6], $0xF7A  }
0x23: {  	s9 =	sor.u32 $0xD0000000, s2;
	s6 =	simm.s32 $0x108;
	_ =	swait.ge @!p0 [sflag:s8], $0x0  }
0x24: {  	s3 =	sadd.s32 $0x88, s3;
	s6 =	simm.s32 @!p1 $0x1082;
	[sflag:s4] =	ssyncset.s32 $0xFFFFF086  }
0x25: {  	[simem:s6], [sflag:s4] =	dma.local [hbm:s3], $0xF7A  }
0x26: {  	[smem:$0x3F9F] =	sst s1;
	(tag) =	ssettag s2;
	_ =	strace s9  }
0x27: {  	s1 =	sld [smem:$0x3FAF]  }
0x28: {  	s2 =	sld [smem:$0x3FB0]  }
0x29: {  	s4 =	sld [smem:$0x3FB2]  }
0x2a: {  	p0 =	seq.s32 s5, $0x0;
	s5 =	sld [smem:$0x3FB3]  }
0x2b: {  	s6 =	sld [smem:$0x3FB4]  }
0x2c: {  	s7 =	sld [smem:$0x3FB5]  }
0x2d: {  	s3 =	simm.s32 $0x108;
	s8 =	sld [smem:$0x3FB6]  }
0x2e: {  	s3 =	simm.s32 @!p0 $0x1082;
	s9 =	sld [smem:$0x3FB7]  }
0x2f: {  	lr =	sadd.s32 s0, s3;
	s0 =	sld [smem:$0x3FAE]  }
0x30: {  	s3 =	sld [smem:$0x3FB1]  }
0x31: {  	[smem:$0x3FBA] =	sst s10  }
0x32: {  	s10 =	sld [smem:$0x3FB8];
	_ =	sdelay $0x3  }
0x33: {  	p0 =	seq.s32 s10, $0x1;
	s10 =	sld [smem:$0x3FBA];
	_ =	sdelay $0x3  }
0x34: {  	[smem:$0x3FBA] =	sst s10  }
0x35: {  	s10 =	sld [smem:$0x3FB9];
	_ =	sdelay $0x3  }
0x36: {  	p1 =	seq.s32 s10, $0x1;
	s10 =	sld [smem:$0x3FBA];
	_ =	sdelay $0x3  }
0x37: {  	[smem:$0x3FBA] =	sst s10  }
0x38: {  	s10 =	sld [smem:$0x3FBB]  }
0x39: {  	_ = 	snop;
	(pc) =	sbr.ind lr, $3  }
0x3a: {  	_ = 	snop  }
0x3b: {  	_ = 	snop  }
0x3c: {  	p2 =	seq.s32 s10, $0x1;
	s10 =	sld [smem:$0x3FBA]  }
0x3d: {  	_ =	shalt  }
0x3e: {  	_ =	shalt  }
0x3f: {  	_ =	shalt  }
0x40: {  	_ =	shalt  }
0x41: {  	_ =	shalt  }
0x42: {  	_ =	shalt  }
0x43: {  	_ =	shalt  }
0x44: {  	_ =	shalt  }
0x45: {  	_ =	shalt  }
0x46: {  	_ =	shalt  }
0x47: {  	_ =	shalt  }
0x48: {  	_ =	shalt  }
0x49: {  	_ =	shalt  }
0x4a: {  	_ =	shalt  }
0x4b: {  	_ =	shalt  }
0x4c: {  	_ =	shalt  }
0x4d: {  	_ =	shalt  }
0x4e: {  	_ =	shalt  }
0x4f: {  	_ =	shalt  }
0x50: {  	_ =	shalt  }
0x51: {  	_ =	shalt  }
0x52: {  	_ =	shalt  }
0x53: {  	_ =	shalt  }
0x54: {  	_ =	shalt  }
0x55: {  	_ =	shalt  }
0x56: {  	_ =	shalt  }
0x57: {  	_ =	shalt  }
0x58: {  	_ =	shalt  }
0x59: {  	_ =	shalt  }
0x5a: {  	_ =	shalt  }
0x5b: {  	_ =	shalt  }
0x5c: {  	_ =	shalt  }
0x5d: {  	_ =	shalt  }
0x5e: {  	_ =	shalt  }
0x5f: {  	_ =	shalt  }
0x60: {  	_ =	shalt  }
0x61: {  	_ =	shalt  }
0x62: {  	_ =	shalt  }
0x63: {  	_ =	shalt  }
0x64: {  	_ =	shalt  }
0x65: {  	_ =	shalt  }
0x66: {  	_ =	shalt  }
0x67: {  	_ =	shalt  }
0x68: {  	_ =	shalt  }
0x69: {  	_ =	shalt  }
0x6a: {  	_ =	shalt  }
0x6b: {  	_ =	shalt  }
0x6c: {  	_ =	shalt  }
0x6d: {  	_ =	shalt  }
0x6e: {  	_ =	shalt  }
0x6f: {  	_ =	shalt  }
0x70: {  	_ =	shalt  }
0x71: {  	_ =	shalt  }
0x72: {  	_ =	shalt  }
0x73: {  	_ =	shalt  }
0x74: {  	_ =	shalt  }
0x75: {  	_ =	shalt  }
0x76: {  	_ =	shalt  }
0x77: {  	_ =	shalt  }
0x78: {  	_ =	shalt  }
0x79: {  	_ =	shalt  }
0x7a: {  	_ =	shalt  }
0x7b: {  	_ =	shalt  }
0x7c: {  	_ =	shalt  }
0x7d: {  	_ =	shalt  }
0x7e: {  	_ =	shalt  }
0x7f: {  	_ =	shalt  }
0x80: {  	_ =	shalt  }
0x81: {  	_ =	shalt  }
0x82: {  	_ =	shalt  }
0x83: {  	_ =	shalt  }
0x84: {  	_ =	shalt  }
0x85: {  	_ =	shalt  }
0x86: {  	_ =	shalt  }
0x87: {  	_ =	shalt  }
.Lfunc_end0:
.L_simem_size_0:
called_computation.1_lowered:
.L_overlay_start_0:
0x88: {  	s2 =	sld [smem:$0x3FD9]  }
0x89: {  	s3 =	sld [smem:$0x3FFE];
	_ =	sdelay $0x1  }
0x8a: {  	s1 =	srdreg.scid  }
0x8b: {  	s0 =	sand.u32 $0x1, s1  }
0x8c: {  	s17 =	sshll.u32 s0, $0xA;
	s2 =	sadd.s32 s3, s2  }
0x8d: {  	s2 =	sadd.s32 s2, s17  }
0x8e: {  	[smem:$0x3FC6] =	sst s2  }
0x8f: {  	_ = 	snop  }
0x90: {  	s2 =	sld [smem:$0x3FD0];
	(tm) =	ssettm $0x1  }
0x91: {  	s18 =	sld [smem:$0x3FFB];
	_ =	sdelay $0x3  }
0x92: {  	_ =	strace s18  }
0x93: {  	s3 =	sld [smem:$0x3FFC];
	_ =	sdelay $0x3  }
0x94: {  	_ =	strace s3  }
0x95: {  	s3 =	sld [smem:$0x3FFD];
	_ =	sdelay $0x3  }
0x96: {  	_ =	strace s3  }
0x97: {  	_ =	strace $0x8FFFFFFF  }
0x98: {  	s19 =	sld [smem:$0x3FDB];
	_ =	sdelay $0x1  }
0x99: {  	s4 =	simm.s32 $_scs_section_size  }
0x9a: {  	s5 =	simm.s32 $_size__tile_overlayer_lowered;
	s6 =	simm.s32 $_tile_overlayer_lowered  }
0x9b: {  	s22 =	simm.s32 $0x1BFF;
	s21 =	sshll.u32 s6, $0x1;
	s3 =	sadd.s32 s4, s19  }
0x9c: {  	s7 =	simm.s32 $0x0;
	s20 =	sshll.u32 s5, $0x1;
	s5 =	sadd.s32 s21, s3  }
0x9d: {  	[timem:s7], [sflag:s22] =	dma.local [hbm:s5], s20  }
0x9e: {  	_ =	swait.ge [sflag:s22], s20  }
0x9f: {  	s4 =	ssub.s32 $0x0, s20;
	[sflag:s22] =	ssyncset.done $0x0  }
0xa0: {  	[sflag:s22] =	ssyncadd.s32 s4;
	_ =	sdelay $0x1  }
0xa1: {  	s23 =	simm.s32 $0x1B8B  }
0xa2: {  	_ =	swait.ge [sflag:s23], $0x1  }
0xa3: {  	[sflag:s23] =	ssyncset.done $0x0  }
0xa4: {  	s25 =	simm.s32 $0x1B8E;
	s24 =	sld [smem:$0x3FFE];
	[sflag:s23] =	ssyncadd.s32 $0xFFFFFFFF  }
0xa5: {  	s26 =	simm.s32 $execute0_lowered;
	[smem:$0x3FD2] =	sst s25  }
0xa6: {  	s5 =	sshll.u32 s26, $0x1;
	_ =	strace $0x80000046;
	[dreg:$0x1] =	wrdreg $0xFFFFFFFF  }
0xa7: {  	s28 =	simm.s32 $_size_execute0_lowered;
	s3 =	sadd.s32 s3, s5;
	[dreg:$0x0] =	wrdreg $0x0  }
0xa8: {  	s5 =	sshll.u32 s28, $0x1;
	[dreg:$0x2] =	wrdreg s3  }
0xa9: {  	[dreg:$0x3] =	wrdreg s5  }
0xaa: {  	[dreg:$0x4] =	wrdreg $0xC0  }
0xab: {  	_ =	task [dreg:s7], $0x5FFFF  }
0xac: {  	[dreg:$0x1] =	wrdreg $0xFFFFFFFF  }
0xad: {  	[dreg:$0x0] =	wrdreg $0x60  }
0xae: {  	[dreg:$0x2] =	wrdreg s24  }
0xaf: {  	[dreg:$0x3] =	wrdreg s2  }
0xb0: {  	[dreg:$0x4] =	wrdreg $0x108000  }
0xb1: {  	[dreg:$0x5] =	wrdreg $0x9  }
0xb2: {  	_ =	task.clear_ibuf [dreg:s7], $0x6FFFF;
	_ =	strace $0x90000046  }
0xb3: {  	s29 =	simm.s32 $0x9;
	_ =	strace $0x80000048  }
0xb4: {  	_ =	swait.ge [sflag:s29], $0x1  }
0xb5: {  	[sflag:s29] =	ssyncadd.s32 $0xFFFFFFFF  }
0xb6: {  	_ =	strace $0x90000048  }
0xb7: {  	_ =	sfence  }
0xb8: {  	s30 =	sld [smem:$0x0];
	_ =	sdelay $0x2  }
0xb9: {  	s31 =	sshll.u32 s1, $0xD;
	s1 =	sshrl.u32 s1, $0x2  }
0xba: {  	s3 =	sand.u32 $0x4000, s31;
	s1 =	sadd.s32 s1, s30  }
0xbb: {  	s0 =	sor.u32 s3, s0;
	s1 =	sshll.u32 s1, $0x11  }
0xbc: {  	s0 =	sor.u32 s1, s0  }
0xbd: {  	s0 =	sadd.s32 $0x8F2B, s0  }
0xbe: {  	[sflag:s0] =	ssyncadd.remote.s32 $0x1  }
0xbf: {  	_ =	sfence.sel $0xFFFF  }
0xc0: {  	[dreg:$0x0] =	wrdreg $0xFFFFFFFF;
	(pc) =	sbr.abs _section_cstart, $3  }
0xc1: {  	[dreg:$0x1] =	wrdreg $0xFFFFFFFF  }
0xc2: {  	_ =	task.clear_ibuf [dreg:s7], $0x2FFFF;
	_ =	strace $0x9FFFFFFF  }
0xc3: {  	(tm) =	ssettm $0x7FFFFFFF  }
tec
execute0_lowered:
.L_overlay_start_1:
0x0: {  	(tag) =	ssettag $0x1  }
0x1: {  	s0 =	rddreg [dreg:$0x0]  }
0x2: {  	s3 =	rddreg [dreg:$0x1]  }
0x3: {  	s2 =	srdreg.scid;
	s4 =	stileid.u32  }
0x4: {  	s1 =	rddreg [dreg:$0x2];
	s18 =	simm.s32 $0x100;
	s19 =	simm.s32 $0x180  }
0x5: {  	s20 =	simm.s32 $0x280;
	s21 =	simm.s32 $0x300;
	s22 =	simm.s32 $0x380  }
0x6: {  	s23 =	simm.s32 $0x480;
	s24 =	simm.s32 $0x500;
	s25 =	simm.s32 $0x580  }
0x7: {  	s28 =	simm.s32 $0x3;
	s5 =	sand.u32 $0x1, s2;
	s2 =	simm.s32 $0x0  }
0x8: {  	s10 =	sadd.s32 $0xA00, s0;
	s0 =	sadd.s32 $0x800, s0;
	[smem:$0x7FF] =	sst s2  }
0x9: {  	s8 =	smul.u32 $0x640, s4;
	_ =	strace $0x80000047;
	[dreg:$0x10] =	wrdreg s0  }
0xa: {  	s29 =	simm.s32 $0x0;
	s30 =	smul.u32 $0x6400, s4;
	[dreg:$0x5] =	wrdreg s18  }
0xb: {  	s6 =	sshll.u32 s4, $0x1;
	s16 =	smul.u32 $0x190000, s4;
	[dreg:$0x6] =	wrdreg s19  }
0xc: {  	p0 =	sne.s32 s4, $0x0;
	s6 =	sor.u32 s5, s6;
	[dreg:$0x7] =	wrdreg s20  }
0xd: {  	s7 =	ssub.s32 $0x2, s5;
	s11 =	smul.u32 $0x320, s5;
	[dreg:$0x8] =	wrdreg s21  }
0xe: {  	s6 =	smul.u32 $0x3200, s6;
	s9 =	sshrl.u32 s7, $0x1;
	[dreg:$0x9] =	wrdreg s22  }
0xf: {  	s18 =	simm.s32 $0x4800;
	s19 =	simm.s32 $0x6800;
	[dreg:$0xa] =	wrdreg s23  }
0x10: {  	s20 =	simm.s32 $0x400;
	[dreg:$0xb] =	wrdreg s24;
	s21 =	simm.s32 $0x2  }
0x11: {  	[dreg:$0xc] =	wrdreg s25;
	s22 =	simm.s32 $0x8800;
	s23 =	simm.s32 $0xA800  }
0x12: {  	s24 =	simm.s32 $0xC800;
	s25 =	simm.s32 $0xE800;
	s26 =	ssub.s32 s7, s9  }
0x13: {  	s31 =	sadd.s32 s11, s8;
	s9 =	smul.u32 $0x3200, s5;
	s6 =	sadd.s32 s10, s6  }
0x14: {  	s5 =	smul.u32 $0xC8000, s5;
	s0 =	smax.u32 s26, $0x1;
	[dreg:$0x11] =	wrdreg s6  }
0x15: {  	s8 =	sshll.u32 s31, $0xA;
	s26 =	simm.s32 $0x680;
	[dreg:$0x13] =	wrdreg s0  }
0x16: {  	s11 =	sor.u32 $0x4, s31;
	s31 =	simm.s32 $0x780;
	[dreg:$0xd] =	wrdreg s26  }
0x17: {  	s6 =	sadd.s32 $0x40, s6;
	s8 =	sadd.s32 s8, s3;
	[dreg:$0xf] =	wrdreg s31  }
0x18: {  	s13 =	sshrl.u32 s11, $0x2;
	s26 =	simm.s32 $0x600;
	[dreg:$0x12] =	wrdreg s6  }
0x19: {  	s6 =	sadd.s32 s30, s10;
	s12 =	sadd.s32 $0x3000, s8;
	s14 =	sadd.s32 $0x2000, s8  }
0x1a: {  	s15 =	sshll.u32 s13, $0x6;
	s0 =	sshll.u32 s13, $0xC;
	s13 =	simm.s32 $0x200  }
0x1b: {  	s30 =	simm.s32 $0x700;
	s7 =	sadd.s32 s9, s6;
	[dreg:$0x14] =	wrdreg s12  }
0x1c: {  	[dreg:$0x15] =	wrdreg s14;
	s8 =	sadd.s32 s15, s10;
	s0 =	sadd.s32 s0, s3  }
0x1d: {  	s3 =	sadd.s32 s16, s3;
	s14 =	simm.s32 $0x1;
	[dreg:$0xe] =	wrdreg s30  }
0x1e: {  	s15 =	simm.s32 $0x80;
	[dreg:$0x16] =	wrdreg s0;
	s17 =	sadd.s32 $0x80, s8  }
0x1f: {  	s16 =	simm.s32 $0x800;
	s0 =	sshrl.u32 @!p0 s1, $0x3;
	[dreg:$0x4] =	wrdreg s17  }
0x20: {  	s11 =	sadd.s32 s5, s3;
	[dreg:$0x17] =	wrdreg s0;
	s17 =	simm.s32 $0x2800  }
.LBB2_1:
0x21: {  	s3 =	rddreg [dreg:$0x10]  }
0x22: {  	s0 =	simm.s32 @!p0 $0x1C04;
	s4 =	rddreg [dreg:$0x17]  }
0x23: {  	[spmem:s4], [sflag:s0] =	dma.local @!p0 [hbm:s3], $0x200  }
0x24: {  	s0 =	simm.s32 @!p0 $0x4  }
0x25: {  	_ =	swait.ge @!p0 [sflag:s0], $0x200  }
0x26: {  	[sflag:s0] =	ssyncset.done @!p0 $0x0  }
0x27: {  	[sflag:s0] =	ssyncadd.s32 @!p0 $0xFFFFFE00  }
0x28: {  	[bflag:$0x0] =	sbarrier.arrive $0xFFFF  }
0x29: {  	s12 =	rddreg [dreg:$0x11]  }
0x2a: {  	[tilespmem:s2], [sflag:$0x1] =	stream.linear.gather [hbm4b:s12+s2], $0x200, $0x38;
	[tilespmem:$0x10900] =	vst v63  }
0x2b: {  	s3 =	rddreg [dreg:$0x12]  }
0x2c: {  	[tilespmem:s13], [sflag:$0x1] =	stream.linear.gather [hbm4b:s3+s2], $0x200, $0x38;
	[tilespmem:$0x10900] =	vst v63  }
0x2d: {  	_ =	swait.ge [sflag:s14], $0x200  }
0x2e: {  	p1 =	por $0x1, $0x1;
	[sflag:s14] =	ssyncset.done $0x0  }
0x2f: {  	s0 =	simm.s32 @!p1 $0x3;
	[sflag:s14] =	ssyncadd.s32 $0xFFFFFE00  }
0x30: {  	_ =	swait.ge @!p1 [sflag:s0], $0x8000  }
0x31: {  	[sflag:s0] =	ssyncset.done @!p1 $0x0  }
0x32: {  	[sflag:s0] =	ssyncadd.s32 @!p1 $0xFFFF8000  }
0x33: {  	[tilespmem:s16], [sflag:$0x2] =	stream.indirect.gather [spmem:s1], $0x40, s2, s15, $0xb8;
	[tilespmem:$0x10900] =	vst v63  }
0x34: {  	_ = 	snop  }
0x35: {  	[tilespmem:s17], [sflag:$0x2] =	stream.indirect.gather [spmem:s1], $0x40, s15, s15, $0xb8;
	[tilespmem:$0x10900] =	vst v63  }
0x36: {  	s4 =	rddreg [dreg:$0x5]  }
0x37: {  	[tilespmem:s18], [sflag:$0x2] =	stream.indirect.gather [spmem:s1], $0x40, s4, s15, $0xb8;
	[tilespmem:$0x10900] =	vst v63  }
0x38: {  	s6 =	sadd.s32 $0x0, s7;
	s5 =	rddreg [dreg:$0x6]  }
0x39: {  	[tilespmem:s19], [sflag:$0x2] =	stream.indirect.gather [spmem:s1], $0x40, s5, s15, $0xb8;
	[tilespmem:$0x10900] =	vst v63  }
0x3a: {  	s3 =	sadd.s32 $0x80, s6  }
0x3b: {  	[tilespmem:s20], [sflag:$0x1] =	stream.linear.gather [hbm4b:s3+s2], $0x200, $0x38;
	[tilespmem:$0x10900] =	vst v63  }
0x3c: {  	_ =	swait.ge [sflag:s21], $0x2000  }
0x3d: {  	[sflag:s21] =	ssyncset.done $0x0  }
0x3e: {  	[sflag:s21] =	ssyncadd.s32 $0xFFFFE000  }
0x3f: {  	_ =	swait.ge [sflag:s21], $0x2000  }
0x40: {  	[sflag:s21] =	ssyncset.done $0x0  }
0x41: {  	[sflag:s21] =	ssyncadd.s32 $0xFFFFE000  }
0x42: {  	_ =	swait.ge [sflag:s21], $0x2000  }
0x43: {  	[sflag:s21] =	ssyncset.done $0x0  }
0x44: {  	[sflag:s21] =	ssyncadd.s32 $0xFFFFE000  }
0x45: {  	_ =	swait.ge [sflag:s21], $0x2000  }
0x46: {  	[sflag:s21] =	ssyncset.done $0x0  }
0x47: {  	[sflag:s21] =	ssyncadd.s32 $0xFFFFE000  }
0x48: {  	[hbm4b:s11+s2] =	stream.linear.scatter [tilespmem:s16], [sflag:$0x3], $0x8000, $0x38;
	[tilespmem:$0x10900] =	vst v63  }
0x49: {  	_ =	swait.ge [sflag:s14], $0x200  }
0x4a: {  	[sflag:s14] =	ssyncset.done $0x0  }
0x4b: {  	[sflag:s14] =	ssyncadd.s32 $0xFFFFFE00  }
0x4c: {  	_ =	swait.ge @!p1 [sflag:s0], $0x8000  }
0x4d: {  	[sflag:s0] =	ssyncset.done @!p1 $0x0  }
0x4e: {  	s8 =	rddreg [dreg:$0x4];
	[sflag:s0] =	ssyncadd.s32 @!p1 $0xFFFF8000  }
0x4f: {  	[tilespmem:s22], [sflag:$0x2] =	stream.indirect.gather [spmem:s1], $0x40, s13, s15, $0xb8;
	[tilespmem:$0x10900] =	vst v63  }
0x50: {  	s9 =	rddreg [dreg:$0x7]  }
0x51: {  	[tilespmem:s23], [sflag:$0x2] =	stream.indirect.gather [spmem:s1], $0x40, s9, s15, $0xb8;
	[tilespmem:$0x10900] =	vst v63  }
0x52: {  	s10 =	rddreg [dreg:$0x8]  }
0x53: {  	[tilespmem:s24], [sflag:$0x2] =	stream.indirect.gather [spmem:s1], $0x40, s10, s15, $0xb8;
	[tilespmem:$0x10900] =	vst v63  }
0x54: {  	s12 =	rddreg [dreg:$0x9]  }
0x55: {  	[tilespmem:s25], [sflag:$0x2] =	stream.indirect.gather [spmem:s1], $0x40, s12, s15, $0xb8;
	[tilespmem:$0x10900] =	vst v63  }
0x56: {  	s4 =	sadd.s32 $0x0, s8  }
0x57: {  	[tilespmem:s26], [sflag:$0x1] =	stream.linear.gather [hbm4b:s4+s2], $0x200, $0x38;
	[tilespmem:$0x10900] =	vst v63  }
0x58: {  	_ =	swait.ge [sflag:s21], $0x2000  }
0x59: {  	[sflag:s21] =	ssyncset.done $0x0  }
0x5a: {  	[sflag:s21] =	ssyncadd.s32 $0xFFFFE000  }
0x5b: {  	_ =	swait.ge [sflag:s21], $0x2000  }
0x5c: {  	[sflag:s21] =	ssyncset.done $0x0  }
0x5d: {  	[sflag:s21] =	ssyncadd.s32 $0xFFFFE000  }
0x5e: {  	_ =	swait.ge [sflag:s21], $0x2000  }
0x5f: {  	[sflag:s21] =	ssyncset.done $0x0  }
0x60: {  	[sflag:s21] =	ssyncadd.s32 $0xFFFFE000  }
0x61: {  	_ =	swait.ge [sflag:s21], $0x2000  }
0x62: {  	[sflag:s21] =	ssyncset.done $0x0  }
0x63: {  	s8 =	rddreg [dreg:$0x16];
	[sflag:s21] =	ssyncadd.s32 $0xFFFFE000  }
0x64: {  	[hbm4b:s8+s2] =	stream.linear.scatter [tilespmem:s22], [sflag:$0x3], $0x8000, $0x38;
	[tilespmem:$0x10900] =	vst v63  }
0x65: {  	_ =	swait.ge [sflag:s14], $0x200  }
0x66: {  	[sflag:s14] =	ssyncset.done $0x0  }
0x67: {  	[sflag:s14] =	ssyncadd.s32 $0xFFFFFE00  }
0x68: {  	_ =	swait.ge [sflag:s28], $0x8000  }
0x69: {  	[sflag:s28] =	ssyncset.done $0x0  }
0x6a: {  	[sflag:s28] =	ssyncadd.s32 $0xFFFF8000  }
0x6b: {  	[tilespmem:s16], [sflag:$0x2] =	stream.indirect.gather [spmem:s1], $0x40, s20, s15, $0xb8;
	[tilespmem:$0x10900] =	vst v63  }
0x6c: {  	s5 =	rddreg [dreg:$0xa]  }
0x6d: {  	[tilespmem:s17], [sflag:$0x2] =	stream.indirect.gather [spmem:s1], $0x40, s5, s15, $0xb8;
	[tilespmem:$0x10900] =	vst v63  }
0x6e: {  	p1 =	por $0x0, $0x0;
	s6 =	rddreg [dreg:$0xb]  }
0x6f: {  	[tilespmem:s18], [sflag:$0x2] =	stream.indirect.gather [spmem:s1], $0x40, s6, s15, $0xb8;
	[tilespmem:$0x10900] =	vst v63  }
0x70: {  	s0 =	sadd.s32 @!p1 $0x0, s7;
	s9 =	rddreg [dreg:$0xc]  }
0x71: {  	[tilespmem:s19], [sflag:$0x2] =	stream.indirect.gather [spmem:s1], $0x40, s9, s15, $0xb8;
	[tilespmem:$0x10900] =	vst v63  }
0x72: {  	s3 =	simm.s32 @!p1 $0x0;
	s4 =	sadd.s32 @!p1 $0x100, s0  }
0x73: {  	[tilespmem:s3], [sflag:$0x1] =	stream.linear.gather @!p1 [hbm4b:s4+s3], $0x200, $0x38;
	[tilespmem:$0x10900] =	vst v63  }
0x74: {  	_ =	swait.ge [sflag:s21], $0x2000  }
0x75: {  	[sflag:s21] =	ssyncset.done $0x0  }
0x76: {  	[sflag:s21] =	ssyncadd.s32 $0xFFFFE000  }
0x77: {  	_ =	swait.ge [sflag:s21], $0x2000  }
0x78: {  	[sflag:s21] =	ssyncset.done $0x0  }
0x79: {  	[sflag:s21] =	ssyncadd.s32 $0xFFFFE000  }
0x7a: {  	_ =	swait.ge [sflag:s21], $0x2000  }
0x7b: {  	[sflag:s21] =	ssyncset.done $0x0  }
0x7c: {  	[sflag:s21] =	ssyncadd.s32 $0xFFFFE000  }
0x7d: {  	_ =	swait.ge [sflag:s21], $0x2000  }
0x7e: {  	[sflag:s21] =	ssyncset.done $0x0  }
0x7f: {  	s6 =	rddreg [dreg:$0x15];
	[sflag:s21] =	ssyncadd.s32 $0xFFFFE000  }
0x80: {  	[hbm4b:s6+s2] =	stream.linear.scatter [tilespmem:s16], [sflag:$0x3], $0x8000, $0x38;
	[tilespmem:$0x10900] =	vst v63  }
0x81: {  	_ =	swait.ge [sflag:s14], $0x200  }
0x82: {  	[sflag:s14] =	ssyncset.done $0x0  }
0x83: {  	[sflag:s14] =	ssyncadd.s32 $0xFFFFFE00  }
0x84: {  	_ =	swait.ge [sflag:s28], $0x8000  }
0x85: {  	[sflag:s28] =	ssyncset.done $0x0  }
0x86: {  	[sflag:s28] =	ssyncadd.s32 $0xFFFF8000  }
0x87: {  	[tilespmem:s22], [sflag:$0x2] =	stream.indirect.gather [spmem:s1], $0x40, s26, s15, $0xb8;
	[tilespmem:$0x10900] =	vst v63  }
0x88: {  	s10 =	rddreg [dreg:$0xd]  }
0x89: {  	[tilespmem:s23], [sflag:$0x2] =	stream.indirect.gather [spmem:s1], $0x40, s10, s15, $0xb8;
	[tilespmem:$0x10900] =	vst v63  }
0x8a: {  	s5 =	rddreg [dreg:$0xe]  }
0x8b: {  	[tilespmem:s24], [sflag:$0x2] =	stream.indirect.gather [spmem:s1], $0x40, s5, s15, $0xb8;
	[tilespmem:$0x10900] =	vst v63  }
0x8c: {  	s12 =	rddreg [dreg:$0xf]  }
0x8d: {  	[tilespmem:s25], [sflag:$0x2] =	stream.indirect.gather [spmem:s1], $0x40, s12, s15, $0xb8;
	[tilespmem:$0x10900] =	vst v63  }
0x8e: {  	s0 =	sadd.s32 @!p1 $0x140, s0;
	s4 =	simm.s32 @!p1 $0x200  }
0x8f: {  	[tilespmem:s4], [sflag:$0x1] =	stream.linear.gather @!p1 [hbm4b:s0+s3], $0x200, $0x38;
	[tilespmem:$0x10900] =	vst v63  }
0x90: {  	_ =	swait.ge [sflag:s21], $0x2000  }
0x91: {  	[sflag:s21] =	ssyncset.done $0x0  }
0x92: {  	[sflag:s21] =	ssyncadd.s32 $0xFFFFE000  }
0x93: {  	_ =	swait.ge [sflag:s21], $0x2000  }
0x94: {  	[sflag:s21] =	ssyncset.done $0x0  }
0x95: {  	[sflag:s21] =	ssyncadd.s32 $0xFFFFE000  }
0x96: {  	_ =	swait.ge [sflag:s21], $0x2000  }
0x97: {  	[sflag:s21] =	ssyncset.done $0x0  }
0x98: {  	[sflag:s21] =	ssyncadd.s32 $0xFFFFE000  }
0x99: {  	s30 =	simm.s32 $0x100;
	_ =	swait.ge [sflag:s21], $0x2000  }
0x9a: {  	s31 =	sadd.s32 $0x4000, s11;
	s0 =	sadd.s32 $0x4000, s6;
	s5 =	rddreg [dreg:$0x14]  }
0x9b: {  	s3 =	sadd.s32 $0x4000, s8;
	[sflag:s21] =	ssyncset.done $0x0;
	s8 =	smov.u32 s5  }
.LBB2_2:
0x9c: {  	[sflag:s21] =	ssyncadd.s32 $0xFFFFE000  }
0x9d: {  	[hbm4b:s5+s2] =	stream.linear.scatter [tilespmem:s22], [sflag:$0x3], $0x8000, $0x38;
	[tilespmem:$0x10900] =	vst v63  }
0x9e: {  	s4 =	smov.u32 s30;
	_ =	swait.ge [sflag:s14], $0x200  }
0x9f: {  	p2 =	seq.s32 s4, $0x0;
	[sflag:s14] =	ssyncset.done $0x0  }
0xa0: {  	s12 =	simm.s32 @!p2 $0x3;
	[sflag:s14] =	ssyncadd.s32 $0xFFFFFE00  }
0xa1: {  	_ =	swait.ge @!p2 [sflag:s12], $0x8000  }
0xa2: {  	[sflag:s12] =	ssyncset.done @!p2 $0x0  }
0xa3: {  	[sflag:s12] =	ssyncadd.s32 @!p2 $0xFFFF8000  }
0xa4: {  	[tilespmem:s16], [sflag:$0x2] =	stream.indirect.gather [spmem:s1], $0x40, s2, s15, $0xb8;
	[tilespmem:$0x10900] =	vst v63  }
0xa5: {  	_ = 	snop  }
0xa6: {  	[tilespmem:s17], [sflag:$0x2] =	stream.indirect.gather [spmem:s1], $0x40, s15, s15, $0xb8;
	[tilespmem:$0x10900] =	vst v63  }
0xa7: {  	s9 =	rddreg [dreg:$0x5]  }
0xa8: {  	[tilespmem:s18], [sflag:$0x2] =	stream.indirect.gather [spmem:s1], $0x40, s9, s15, $0xb8;
	[tilespmem:$0x10900] =	vst v63  }
0xa9: {  	s10 =	sadd.s32 s4, s7;
	s6 =	rddreg [dreg:$0x6]  }
0xaa: {  	[tilespmem:s19], [sflag:$0x2] =	stream.indirect.gather [spmem:s1], $0x40, s6, s15, $0xb8;
	[tilespmem:$0x10900] =	vst v63  }
0xab: {  	s9 =	sadd.s32 $0x80, s10  }
0xac: {  	[tilespmem:s20], [sflag:$0x1] =	stream.linear.gather [hbm4b:s9+s2], $0x200, $0x38;
	[tilespmem:$0x10900] =	vst v63  }
0xad: {  	_ =	swait.ge [sflag:s21], $0x2000  }
0xae: {  	[sflag:s21] =	ssyncset.done $0x0  }
0xaf: {  	[sflag:s21] =	ssyncadd.s32 $0xFFFFE000  }
0xb0: {  	_ =	swait.ge [sflag:s21], $0x2000  }
0xb1: {  	[sflag:s21] =	ssyncset.done $0x0  }
0xb2: {  	[sflag:s21] =	ssyncadd.s32 $0xFFFFE000  }
0xb3: {  	_ =	swait.ge [sflag:s21], $0x2000  }
0xb4: {  	[sflag:s21] =	ssyncset.done $0x0  }
0xb5: {  	[sflag:s21] =	ssyncadd.s32 $0xFFFFE000  }
0xb6: {  	_ =	swait.ge [sflag:s21], $0x2000  }
0xb7: {  	[sflag:s21] =	ssyncset.done $0x0  }
0xb8: {  	[sflag:s21] =	ssyncadd.s32 $0xFFFFE000  }
0xb9: {  	[hbm4b:s31+s2] =	stream.linear.scatter [tilespmem:s16], [sflag:$0x3], $0x8000, $0x38;
	[tilespmem:$0x10900] =	vst v63  }
0xba: {  	_ =	swait.ge [sflag:s14], $0x200  }
0xbb: {  	[sflag:s14] =	ssyncset.done $0x0  }
0xbc: {  	[sflag:s14] =	ssyncadd.s32 $0xFFFFFE00  }
0xbd: {  	_ =	swait.ge @!p2 [sflag:s12], $0x8000  }
0xbe: {  	[sflag:s12] =	ssyncset.done @!p2 $0x0  }
0xbf: {  	s6 =	rddreg [dreg:$0x4];
	[sflag:s12] =	ssyncadd.s32 @!p2 $0xFFFF8000  }
0xc0: {  	[tilespmem:s22], [sflag:$0x2] =	stream.indirect.gather [spmem:s1], $0x40, s13, s15, $0xb8;
	[tilespmem:$0x10900] =	vst v63  }
0xc1: {  	s10 =	rddreg [dreg:$0x7]  }
0xc2: {  	[tilespmem:s23], [sflag:$0x2] =	stream.indirect.gather [spmem:s1], $0x40, s10, s15, $0xb8;
	[tilespmem:$0x10900] =	vst v63  }
0xc3: {  	s12 =	rddreg [dreg:$0x8]  }
0xc4: {  	[tilespmem:s24], [sflag:$0x2] =	stream.indirect.gather [spmem:s1], $0x40, s12, s15, $0xb8;
	[tilespmem:$0x10900] =	vst v63  }
0xc5: {  	s10 =	rddreg [dreg:$0x9]  }
0xc6: {  	[tilespmem:s25], [sflag:$0x2] =	stream.indirect.gather [spmem:s1], $0x40, s10, s15, $0xb8;
	[tilespmem:$0x10900] =	vst v63  }
0xc7: {  	s6 =	sadd.s32 s4, s6  }
0xc8: {  	[tilespmem:s26], [sflag:$0x1] =	stream.linear.gather [hbm4b:s6+s2], $0x200, $0x38;
	[tilespmem:$0x10900] =	vst v63  }
0xc9: {  	_ =	swait.ge [sflag:s21], $0x2000  }
0xca: {  	[sflag:s21] =	ssyncset.done $0x0  }
0xcb: {  	[sflag:s21] =	ssyncadd.s32 $0xFFFFE000  }
0xcc: {  	_ =	swait.ge [sflag:s21], $0x2000  }
0xcd: {  	[sflag:s21] =	ssyncset.done $0x0  }
0xce: {  	[sflag:s21] =	ssyncadd.s32 $0xFFFFE000  }
0xcf: {  	_ =	swait.ge [sflag:s21], $0x2000  }
0xd0: {  	[sflag:s21] =	ssyncset.done $0x0  }
0xd1: {  	[sflag:s21] =	ssyncadd.s32 $0xFFFFE000  }
0xd2: {  	_ =	swait.ge [sflag:s21], $0x2000  }
0xd3: {  	[sflag:s21] =	ssyncset.done $0x0  }
0xd4: {  	[sflag:s21] =	ssyncadd.s32 $0xFFFFE000  }
0xd5: {  	[hbm4b:s3+s2] =	stream.linear.scatter [tilespmem:s22], [sflag:$0x3], $0x8000, $0x38;
	[tilespmem:$0x10900] =	vst v63  }
0xd6: {  	_ =	swait.ge [sflag:s14], $0x200  }
0xd7: {  	[sflag:s14] =	ssyncset.done $0x0  }
0xd8: {  	[sflag:s14] =	ssyncadd.s32 $0xFFFFFE00  }
0xd9: {  	_ =	swait.ge [sflag:s28], $0x8000  }
0xda: {  	[sflag:s28] =	ssyncset.done $0x0  }
0xdb: {  	[sflag:s28] =	ssyncadd.s32 $0xFFFF8000  }
0xdc: {  	[tilespmem:s16], [sflag:$0x2] =	stream.indirect.gather [spmem:s1], $0x40, s20, s15, $0xb8;
	[tilespmem:$0x10900] =	vst v63  }
0xdd: {  	s9 =	rddreg [dreg:$0xa]  }
0xde: {  	[tilespmem:s17], [sflag:$0x2] =	stream.indirect.gather [spmem:s1], $0x40, s9, s15, $0xb8;
	[tilespmem:$0x10900] =	vst v63  }
0xdf: {  	p2 =	seq.s32 s4, $0x3100;
	s10 =	rddreg [dreg:$0xb]  }
0xe0: {  	[tilespmem:s18], [sflag:$0x2] =	stream.indirect.gather [spmem:s1], $0x40, s10, s15, $0xb8;
	[tilespmem:$0x10900] =	vst v63  }
0xe1: {  	s4 =	sadd.s32 @!p2 s4, s7;
	s12 =	rddreg [dreg:$0xc]  }
0xe2: {  	[tilespmem:s19], [sflag:$0x2] =	stream.indirect.gather [spmem:s1], $0x40, s12, s15, $0xb8;
	[tilespmem:$0x10900] =	vst v63  }
0xe3: {  	s6 =	simm.s32 @!p2 $0x0;
	s9 =	sadd.s32 @!p2 $0x100, s4  }
0xe4: {  	[tilespmem:s6], [sflag:$0x1] =	stream.linear.gather @!p2 [hbm4b:s9+s6], $0x200, $0x38;
	[tilespmem:$0x10900] =	vst v63  }
0xe5: {  	_ =	swait.ge [sflag:s21], $0x2000  }
0xe6: {  	[sflag:s21] =	ssyncset.done $0x0  }
0xe7: {  	[sflag:s21] =	ssyncadd.s32 $0xFFFFE000  }
0xe8: {  	_ =	swait.ge [sflag:s21], $0x2000  }
0xe9: {  	[sflag:s21] =	ssyncset.done $0x0  }
0xea: {  	[sflag:s21] =	ssyncadd.s32 $0xFFFFE000  }
0xeb: {  	_ =	swait.ge [sflag:s21], $0x2000  }
0xec: {  	[sflag:s21] =	ssyncset.done $0x0  }
0xed: {  	[sflag:s21] =	ssyncadd.s32 $0xFFFFE000  }
0xee: {  	_ =	swait.ge [sflag:s21], $0x2000  }
0xef: {  	[sflag:s21] =	ssyncset.done $0x0  }
0xf0: {  	[sflag:s21] =	ssyncadd.s32 $0xFFFFE000  }
0xf1: {  	[hbm4b:s0+s2] =	stream.linear.scatter [tilespmem:s16], [sflag:$0x3], $0x8000, $0x38;
	[tilespmem:$0x10900] =	vst v63  }
0xf2: {  	_ =	swait.ge [sflag:s14], $0x200  }
0xf3: {  	[sflag:s14] =	ssyncset.done $0x0  }
0xf4: {  	[sflag:s14] =	ssyncadd.s32 $0xFFFFFE00  }
0xf5: {  	_ =	swait.ge [sflag:s28], $0x8000  }
0xf6: {  	[sflag:s28] =	ssyncset.done $0x0  }
0xf7: {  	[sflag:s28] =	ssyncadd.s32 $0xFFFF8000  }
0xf8: {  	[tilespmem:s22], [sflag:$0x2] =	stream.indirect.gather [spmem:s1], $0x40, s26, s15, $0xb8;
	[tilespmem:$0x10900] =	vst v63  }
0xf9: {  	s9 =	rddreg [dreg:$0xd]  }
0xfa: {  	[tilespmem:s23], [sflag:$0x2] =	stream.indirect.gather [spmem:s1], $0x40, s9, s15, $0xb8;
	[tilespmem:$0x10900] =	vst v63  }
0xfb: {  	s12 =	rddreg [dreg:$0xe]  }
0xfc: {  	[tilespmem:s24], [sflag:$0x2] =	stream.indirect.gather [spmem:s1], $0x40, s12, s15, $0xb8;
	[tilespmem:$0x10900] =	vst v63  }
0xfd: {  	s10 =	rddreg [dreg:$0xf]  }
0xfe: {  	[tilespmem:s25], [sflag:$0x2] =	stream.indirect.gather [spmem:s1], $0x40, s10, s15, $0xb8;
	[tilespmem:$0x10900] =	vst v63  }
0xff: {  	s4 =	sadd.s32 @!p2 $0x140, s4;
	s9 =	simm.s32 @!p2 $0x200  }
0x100: {  	[tilespmem:s9], [sflag:$0x1] =	stream.linear.gather @!p2 [hbm4b:s4+s6], $0x200, $0x38;
	[tilespmem:$0x10900] =	vst v63  }
0x101: {  	_ =	swait.ge [sflag:s21], $0x2000  }
0x102: {  	[sflag:s21] =	ssyncset.done $0x0  }
0x103: {  	[sflag:s21] =	ssyncadd.s32 $0xFFFFE000  }
0x104: {  	_ =	swait.ge [sflag:s21], $0x2000  }
0x105: {  	s30 =	sadd.s32 $0x100, s30;
	[sflag:s21] =	ssyncset.done $0x0  }
0x106: {  	p1 =	sne.s32 s30, $0x3200;
	[sflag:s21] =	ssyncadd.s32 $0xFFFFE000  }
.Ltmp0:
0x107: {  	_ =	swait.ge [sflag:s21], $0x2000;
	(pc) =	sbr.rel @p1 .LBB2_2-.Ltmp0, $4  }
0x108: {  	[sflag:s21] =	ssyncset.done $0x0  }
0x109: {  	s8 =	sadd.s32 $0x4000, s8;
	[sflag:s21] =	ssyncadd.s32 $0xFFFFE000  }
0x10a: {  	s5 =	smov.u32 s8;
	s31 =	sadd.s32 $0x4000, s31;
	_ =	swait.ge [sflag:s21], $0x2000  }
0x10b: {  	s3 =	sadd.s32 $0x4000, s3;
	s0 =	sadd.s32 $0x4000, s0;
	[sflag:s21] =	ssyncset.done $0x0  }
0x10c: {  	[sflag:s21] =	ssyncadd.s32 $0xFFFFE000  }
0x10d: {  	[hbm4b:s5+s2] =	stream.linear.scatter [tilespmem:s22], [sflag:$0x3], $0x8000, $0x38;
	[tilespmem:$0x10900] =	vst v63  }
0x10e: {  	_ =	swait.ge [sflag:s28], $0x8000  }
0x10f: {  	[sflag:s28] =	ssyncset.done $0x0  }
0x110: {  	[sflag:s28] =	ssyncadd.s32 $0xFFFF8000  }
0x111: {  	_ =	swait.ge [sflag:s28], $0x8000  }
0x112: {  	s29 =	sadd.s32 $0x1, s29;
	s0 =	rddreg [dreg:$0x13]  }
0x113: {  	p1 =	sne.s32 s29, s0  }
.Ltmp1:
0x114: {  	_ = 	snop;
	(pc) =	sbr.rel @p1 .LBB2_1-.Ltmp1, $3  }
0x115: {  	_ =	sdelay $0x1  }
0x116: {  	[sflag:s28] =	ssyncset.done $0x0  }
0x117: {  	[sflag:s28] =	ssyncadd.s32 $0xFFFF8000  }
0x118: {  	_ =	sfence.sel $0x180000  }
0x119: {  	[bflag:$0x0] =	sbarrier.arrive $0xFFFF  }
0x11a: {  	_ =	strace $0x90000047  }
0x11b: {  	[bflag:$0x2] =	sbarrier.arrive $0xFFFF  }
0x11c: {  	s0 =	rddreg [dreg:$0x3]  }
0x11d: {  	s0 =	sadd.s32 @!p0 $0x100000, s0  }
0x11e: {  	[sflag:s0] =	ssyncadd.tile.s32 @!p0 $0x1;
	_ =	shalt  }
.Lfunc_end2:
_tile_overlayer_lowered:
.L_overlay_start_2:
0x11f: {  	(tag) =	ssettag $0x2  }
0x120: {  	s0 =	rddreg [dreg:$0x0];
	s2 =	stileid.u32  }
0x121: {  	s1 =	rddreg [dreg:$0x1];
	p0 =	sne.s32 s2, $0x0  }
0x122: {  	s3 =	rddreg [dreg:$0x2];
	[bflag:$0x3] =	sbarrier.arrive $0xFFFF;
	s2 =	simm.s32 @!p0 $0x1C04  }
0x123: {  	[timem:s3], [sflag:s2] =	dma.local @!p0 [hbm:s0], s1  }
0x124: {  	s0 =	simm.s32 @!p0 $0x4  }
0x125: {  	_ =	swait.ge @!p0 [sflag:s0], s1  }
0x126: {  	s1 =	ssub.s32 @!p0 $0x0, s1;
	[sflag:s0] =	ssyncset.done @!p0 $0x0  }
0x127: {  	[sflag:s0] =	ssyncadd.s32 @!p0 s1  }
0x128: {  	[bflag:$0x3] =	sbarrier.arrive $0xFFFF  }
0x129: {  	_ =	shalt  }

// kernel: sparse-core-data-format-call.cloned.1.call-start
scs
called_computation_lowered:
.L_overlay_start_0:
0x0: {  	s2 =	sld [smem:$0x3FD9]  }
0x1: {  	s3 =	sld [smem:$0x3FFE];
	_ =	sdelay $0x1  }
0x2: {  	s1 =	srdreg.scid  }
0x3: {  	s0 =	sand.u32 $0x1, s1  }
0x4: {  	s18 =	sshll.u32 s0, $0xA;
	s2 =	sadd.s32 s3, s2  }
0x5: {  	s2 =	sadd.s32 s2, s18  }
0x6: {  	[smem:$0x3FC6] =	sst s2  }
0x7: {  	_ = 	snop  }
0x8: {  	s2 =	sld [smem:$0x3FD0];
	(tm) =	ssettm $0x1  }
0x9: {  	s19 =	sld [smem:$0x3FFB];
	_ =	sdelay $0x3  }
0xa: {  	_ =	strace s19  }
0xb: {  	s3 =	sld [smem:$0x3FFC];
	_ =	sdelay $0x3  }
0xc: {  	_ =	strace s3  }
0xd: {  	s3 =	sld [smem:$0x3FFD];
	_ =	sdelay $0x3  }
0xe: {  	_ =	strace s3  }
0xf: {  	_ =	strace $0x8FFFFFFF  }
0x10: {  	s20 =	sld [smem:$0x3FDB];
	_ =	sdelay $0x1  }
0x11: {  	s4 =	simm.s32 $_scs_section_size  }
0x12: {  	s5 =	simm.s32 $_size__tile_overlayer_lowered;
	s6 =	simm.s32 $_tile_overlayer_lowered  }
0x13: {  	s23 =	simm.s32 $0x1BFF;
	s22 =	sshll.u32 s6, $0x1;
	s3 =	sadd.s32 s4, s20  }
0x14: {  	s7 =	simm.s32 $0x0;
	s21 =	sshll.u32 s5, $0x1;
	s5 =	sadd.s32 s22, s3  }
0x15: {  	[timem:s7], [sflag:s23] =	dma.local [hbm:s5], s21  }
0x16: {  	_ =	swait.ge [sflag:s23], s21  }
0x17: {  	s4 =	ssub.s32 $0x0, s21;
	[sflag:s23] =	ssyncset.done $0x0  }
0x18: {  	[sflag:s23] =	ssyncadd.s32 s4;
	_ =	sdelay $0x1  }
0x19: {  	s24 =	simm.s32 $0x1B8B  }
0x1a: {  	_ =	swait.ge [sflag:s24], $0x1  }
0x1b: {  	[sflag:s24] =	ssyncset.done $0x0  }
0x1c: {  	s26 =	simm.s32 $0x1B8E;
	s25 =	sld [smem:$0x3FFE];
	[sflag:s24] =	ssyncadd.s32 $0xFFFFFFFF  }
0x1d: {  	s27 =	simm.s32 $execute0_lowered;
	[smem:$0x3FD2] =	sst s26  }
0x1e: {  	s5 =	sshll.u32 s27, $0x1;
	_ =	strace $0x80000049;
	[dreg:$0x1] =	wrdreg $0xFFFFFFFF  }
0x1f: {  	s28 =	simm.s32 $_size_execute0_lowered;
	s3 =	sadd.s32 s3, s5;
	[dreg:$0x0] =	wrdreg $0x0  }
0x20: {  	s5 =	sshll.u32 s28, $0x1;
	[dreg:$0x2] =	wrdreg s3  }
0x21: {  	[dreg:$0x3] =	wrdreg s5  }
0x22: {  	[dreg:$0x4] =	wrdreg $0xC0  }
0x23: {  	_ =	task [dreg:s7], $0x5FFFF  }
0x24: {  	[dreg:$0x1] =	wrdreg $0xFFFFFFFF  }
0x25: {  	[dreg:$0x0] =	wrdreg $0x60  }
0x26: {  	[dreg:$0x2] =	wrdreg s25  }
0x27: {  	[dreg:$0x3] =	wrdreg s2  }
0x28: {  	[dreg:$0x4] =	wrdreg $0x9  }
0x29: {  	_ =	task.clear_ibuf [dreg:s7], $0x5FFFF;
	_ =	strace $0x90000049  }
0x2a: {  	s29 =	simm.s32 $0x9;
	_ =	strace $0x8000004B  }
0x2b: {  	_ =	swait.ge [sflag:s29], $0x1  }
0x2c: {  	[sflag:s29] =	ssyncadd.s32 $0xFFFFFFFF  }
0x2d: {  	_ =	strace $0x9000004B  }
0x2e: {  	_ =	sfence  }
0x2f: {  	s30 =	sld [smem:$0x0];
	_ =	sdelay $0x2  }
0x30: {  	s31 =	sshll.u32 s1, $0xD;
	s1 =	sshrl.u32 s1, $0x2  }
0x31: {  	s3 =	sand.u32 $0x4000, s31;
	s1 =	sadd.s32 s1, s30  }
0x32: {  	s0 =	sor.u32 s3, s0;
	s1 =	sshll.u32 s1, $0x11  }
0x33: {  	s0 =	sor.u32 s1, s0  }
0x34: {  	s0 =	sadd.s32 $0x8F2B, s0  }
0x35: {  	[sflag:s0] =	ssyncadd.remote.s32 $0x1  }
0x36: {  	_ =	sfence.sel $0xFFFF  }
0x37: {  	[dreg:$0x0] =	wrdreg $0xFFFFFFFF;
	(pc) =	sbr.abs _section_cstart, $3  }
0x38: {  	[dreg:$0x1] =	wrdreg $0xFFFFFFFF  }
0x39: {  	_ =	task.clear_ibuf [dreg:s7], $0x2FFFF;
	_ =	strace $0x9FFFFFFF  }
0x3a: {  	(tm) =	ssettm $0x7FFFFFFF  }
0x3b: {  	_ =	shalt  }
tec
execute0_lowered:
.L_overlay_start_1:
0x0: {  	(tag) =	ssettag $0x1  }
0x1: {  	s0 =	srdreg.scid  }
0x2: {  	s1 =	sshll.u32 s0, $0x4  }
0x3: {  	s0 =	stileid.u32;
	s1 =	sand.u32 $0x10, s1  }
0x4: {  	s1 =	sor.u32 s0, s1  }
0x5: {  	s6 =	rddreg [dreg:$0x0];
	s4 =	simm.s32 $0x1;
	s2 =	sshll.u32 s1, $0x7  }
0x6: {  	s7 =	simm.s32 $0x2;
	s12 =	simm.s32 $0x0;
	s1 =	ssub.s32 $0x4000, s2  }
0x7: {  	s8 =	simm.s32 $0x20000;
	s13 =	simm.s32 $0x0;
	s3 =	sand.u32 $0xF80, s1  }
0x8: {  	s9 =	simm.s32 $0x0;
	s5 =	sshrl.u32 s1, $0xC;
	p0 =	sne.s32 s3, $0x0  }
.Ltmp0:
0x9: {  	s1 =	rddreg [dreg:$0x2];
	s4 =	simm.s32 @!p0 $0x0;
	(pc) =	sbr.rel .LBB1_1-.Ltmp0, $4  }
0xa: {  	s11 =	simm.s32 $0x0;
	s3 =	rddreg [dreg:$0x1];
	s5 =	sadd.s32 s4, s5  }
0xb: {  	_ =	strace $0x8000004A;
	s4 =	simm.s32 $0x1;
	s5 =	smul.u32 $0xC8, s5  }
0xc: {  	s6 =	sadd.s32 $0x800, s6;
	s10 =	smov.u32 s2;
	[sflag:s4] =	ssyncpa.u1 $0x0  }
0xd: {  	p0 =	por $0x0, $0x0;
	[sflag:s7] =	ssyncpa.u1 $0x0;
	s7 =	sor.u32 $0x1, s5  }
.LBB1_4:
0xe: {  	s16 =	sshll.u32 s13, $0x3;
	s17 =	sand.u32 $0x78, s13  }
0xf: {  	s30 =	sand.u32 $0x1F800, s13;
	s12 =	sshll.u32 s12, $0x11;
	s16 =	sand.u32 $0x3C00, s16  }
0x10: {  	[tilespmem:s15+$0x810 ss:$0x81] =	vst.msk $0xffff, v2;
	s31 =	sand.u32 $0x7, s13;
	s16 =	sor.u32 s17, s16;
	s17 =	sadd.s32 s3, s30  }
0x11: {  	[tilespmem:s15+$0x1020 ss:$0x81] =	vst.msk $0xffff, v0;
	s13 =	sshll.u32 s31, $0x12;
	s12 =	sadd.s32 s12, s17;
	s16 =	sshrl.u32 s16, $0x3  }
0x12: {  	[tilespmem:s15+$0x0 ss:$0x81] =	vst.msk $0xffff, v1;
	s13 =	sor.u32 $0x400, s13;
	s12 =	sadd.s32 s16, s12  }
0x13: {  	[hbm4b:s12+s13] =	stream.strided.scatter [tilespmem:s14], [sflag:$0x2], $0x2000, s8, s13, $0x20;
	[tilespmem:$0x8080] =	vst v63  }
.LBB1_5:
0x14: {  	s14 =	sadd.s32 $0x1, s9  }
0x15: {  	s12 =	sadd.s32 $0x1000, s10;
	s16 =	smov.u32 s10;
	p2 =	sgt.s32 s14, $0xC7  }
0x16: {  	s16 =	smov.u32 @p2 s12  }
0x17: {  	s14 =	simm.s32 @p2 $0x0;
	p2 =	sgt.s32 s16, $0x3FFF  }
0x18: {  	s16 =	smov.u32 @p2 s2;
	p2 =	sne.s32 s11, s7  }
.Ltmp1:
0x19: {  	p1 =	slt.u32 s11, $0x2;
	(pc) =	sbr.rel @!p2 .LBB1_6-.Ltmp1, $4  }
0x1a: {  	s15 =	simm.s32 @!p1 $0x2  }
0x1b: {  	s13 =	smov.u32 s10;
	p0 =	por !p0, !p0;
	_ =	swait.ge @!p1 [sflag:s15], $0x2000  }
0x1c: {  	s12 =	smov.u32 s9;
	[sflag:s15] =	ssyncset.done @!p1 $0x0;
	s9 =	smov.u32 s14  }
0x1d: {  	s11 =	sadd.s32 $0x1, s11;
	[sflag:s15] =	ssyncadd.s32 @!p1 $0xFFFFE000;
	s10 =	smov.u32 s16  }
.LBB1_1:
0x1e: {  	p1 =	sge.u32 s11, s5  }
0x1f: {  	s14 =	sand.u32 @!p1 $0x1FFFFFF, s9  }
0x20: {  	s15 =	smulhi.u32 @!p1 $0x147AE15, s14;
	_ =	sdelay $0x1  }
0x21: {  	s15 =	smul.u32 @!p1 $0xC8, s15  }
0x22: {  	s16 =	sxor.u32 @!p1 $0xFFFFFFFF, s11;
	s17 =	smul.u32 @!p1 $0xC80, s10  }
0x23: {  	s31 =	sadd.s32 $0xFFFFFFFF, s11;
	s16 =	sshll.u32 @!p1 s16, $0xD;
	s14 =	ssub.s32 @!p1 s14, s15  }
0x24: {  	s15 =	sand.u32 @!p1 $0x2000, s16;
	s16 =	sadd.s32 @!p1 s6, s17;
	s14 =	sshll.u32 @!p1 s14, $0x4  }
0x25: {  	s17 =	simm.s32 @!p1 $0x6400;
	s14 =	sadd.s32 @!p1 s14, s16;
	s16 =	simm.s32 @!p1 $0x40  }
0x26: {  	[tilespmem:s15], [sflag:$0x1] =	stream.strided.gather @!p1 [hbm4b:s14+s16], $0x2000, s17, s16, $0x38;
	[tilespmem:$0x8080] =	vst v63  }
0x27: {  	p1 =	sge.u32 s31, s5  }
.Ltmp2:
0x28: {  	_ = 	snop;
	(pc) =	sbr.rel @p1 .LBB1_5-.Ltmp2, $1  }
0x29: {  	_ =	sdelay $0x3  }
0x2a: {  	s14 =	simm.s32 $0x1  }
0x2b: {  	_ =	swait.ge [sflag:s4], $0x2000;
	s14 =	simm.s32 @!p0 $0x0  }
0x2c: {  	[sflag:s4] =	ssyncset.done $0x0;
	s15 =	sshll.u32 s14, $0xD  }
0x2d: {  	[sflag:s4] =	ssyncadd.s32 $0xFFFFE000;
	s18 =	sor.u32 $0x20, s15  }
0x2e: {  	s14 =	smul.u32 $0x8100, s14;
	v3 =	vld [tilespmem:s18+$0x10]  }
0x2f: {  	s30 =	sand.u32 $0x1, s11;
	v2 =	vld [tilespmem:s18+$0xFFFFFFF0]  }
0x30: {  	s15 =	smul.u32 $0x8100, s30;
	s14 =	sshrl.u32 s14, $0x2;
	v0 =	vld [tilespmem:s18+$0x0]  }
0x31: {  	v1 =	vld [tilespmem:s18+$0xFFFFFFE0];
	s16 =	sor.u32 $0x4000, s14  }
0x32: {  	s31 =	sshrl.u32 s15, $0x2;
	s15 =	sadd.s32 $0x0, s16  }
0x33: {  	s17 =	simm.s32 $0x4;
	s18 =	sadd.s32 $0x40, s18;
	s14 =	sor.u32 $0x4000, s31;
	[tilespmem:s15+$0x1830 ss:$0x81] =	vst.msk $0xffff, v3  }
.LBB1_3:
0x34: {  	v3 =	vld [tilespmem:s18+$0x10];
	p1 =	sne.s32 s17, $0x1FC;
	[tilespmem:s15+$0x810 ss:$0x81] =	vst.msk $0xffff, v2;
	s19 =	smov.u32 s17;
	s17 =	sadd.s32 $0x4, s17  }
.Ltmp3:
0x35: {  	v2 =	vld [tilespmem:s18+$0xFFFFFFF0];
	[tilespmem:s15+$0x1020 ss:$0x81] =	vst.msk $0xffff, v0;
	(pc) =	sbr.rel @p1 .LBB1_3-.Ltmp3, $4  }
0x36: {  	v0 =	vld [tilespmem:s18+$0x0];
	[tilespmem:s15+$0x0 ss:$0x81] =	vst.msk $0xffff, v1  }
0x37: {  	s15 =	sshra.s32 s19, $0x2;
	v1 =	vld [tilespmem:s18+$0xFFFFFFE0]  }
0x38: {  	s15 =	sadd.s32 s15, s16  }
0x39: {  	s18 =	sadd.s32 $0x40, s18;
	[tilespmem:s15+$0x1830 ss:$0x81] =	vst.msk $0xffff, v3  }
.Ltmp4:
0x3a: {  	_ = 	snop;
	(pc) =	sbr.rel .LBB1_4-.Ltmp4, $1  }
0x3b: {  	_ =	sdelay $0x3  }
.LBB1_6:
0x3c: {  	_ =	sfence.sel $0x180000  }
0x3d: {  	s2 =	simm.s32 $0x1;
	[bflag:$0x0] =	sbarrier.arrive $0xFFFF  }
0x3e: {  	s31 =	simm.s32 $0x2;
	[sflag:s2] =	ssyncpa.u1 $0x1  }
0x3f: {  	[sflag:s31] =	ssyncpa.u1 $0x1  }
0x40: {  	p0 =	sne.s32 s0, $0x0;
	_ =	strace $0x9000004A  }
0x41: {  	s0 =	sadd.s32 @!p0 $0x100000, s1;
	[bflag:$0x2] =	sbarrier.arrive $0xFFFF  }
0x42: {  	[sflag:s0] =	ssyncadd.tile.s32 @!p0 $0x1;
	_ =	shalt  }
.Lfunc_end1:
_tile_overlayer_lowered:
.L_overlay_start_2:
0x43: {  	(tag) =	ssettag $0x2  }
0x44: {  	s0 =	rddreg [dreg:$0x0];
	s2 =	stileid.u32  }
0x45: {  	s1 =	rddreg [dreg:$0x1];
	p0 =	sne.s32 s2, $0x0  }
0x46: {  	s3 =	rddreg [dreg:$0x2];
	[bflag:$0x3] =	sbarrier.arrive $0xFFFF;
	s2 =	simm.s32 @!p0 $0x1C01  }
0x47: {  	[timem:s3], [sflag:s2] =	dma.local @!p0 [hbm:s0], s1  }
0x48: {  	s0 =	simm.s32 @!p0 $0x1  }
0x49: {  	_ =	swait.ge @!p0 [sflag:s0], s1  }
0x4a: {  	s1 =	ssub.s32 @!p0 $0x0, s1;
	[sflag:s0] =	ssyncset.done @!p0 $0x0  }
0x4b: {  	[sflag:s0] =	ssyncadd.s32 @!p0 s1  }
0x4c: {  	[bflag:$0x3] =	sbarrier.arrive $0xFFFF  }
0x4d: {  	_ =	shalt  }

</sc_bundles>
